<compile_context>
chip_gen: v7x
topology: tpu7x:2x2x1
jax: 0.10.2.dev20260603
libtpu: 0.0.44.dev20260713+nightly
codegen_flags: <defaults>
</compile_context>

<pallas_src>
import functools

import jax
import jax.numpy as jnp
from jax import lax
from jax.experimental import pallas as pl
from jax.experimental.pallas import tpu as pltpu
from jax.experimental.pallas import tpu_sc as plsc

N = 10000
E = 320000
D = 128
H = 128
C = 64
K = 4

NC = 2
NS = 16
NW = NC * NS
CH = 128
N_PAD = 10112
ROWS_PER_TILE = N_PAD // NS
E_W = 10112
NCH = E_W // CH
E_PAD = NW * E_W

_mesh = plsc.VectorSubcoreMesh(core_axis_name="c", subcore_axis_name="s")




def _zero_my_slice(rbuf, acc, s):

    def zfill(i, _):
        rbuf[i // 8, pl.ds((i % 8) * 16, 16)] = jnp.zeros((16,), jnp.float32)
        return 0

    lax.fori_loop(0, CH * 8, zfill, 0)
    base = s * ROWS_PER_TILE
    for q in range(ROWS_PER_TILE // CH):
        pltpu.sync_copy(rbuf, acc.at[pl.ds(base + q * CH, CH)])
    pltpu.sync_copy(rbuf.at[pl.ds(0, ROWS_PER_TILE % CH)],
                    acc.at[pl.ds(base + (ROWS_PER_TILE // CH) * CH,
                                 ROWS_PER_TILE % CH)])


@functools.partial(
    pl.kernel,
    out_type=jax.ShapeDtypeStruct((NC, N_PAD, H), jnp.float32),
    mesh=_mesh,
    scratch_types=[
        pltpu.VMEM((NCH, CH), jnp.int32),
        pltpu.VMEM((CH, H), jnp.float32),
        pltpu.VMEM_SHARED((N_PAD, H), jnp.float32),
    ],
)
def _deg_call(cols3_hbm, out_hbm, colv, rbuf, acc):
    c = lax.axis_index("c")
    s = lax.axis_index("s")
    w = s * NC + c
    base = s * ROWS_PER_TILE

    _zero_my_slice(rbuf, acc, s)

    def ofill(i, _):
        rbuf[i // 8, pl.ds((i % 8) * 16, 16)] = jnp.full((16,), 1.0, jnp.float32)
        return 0

    lax.fori_loop(0, CH * 8, ofill, 0)
    pltpu.sync_copy(cols3_hbm.at[w], colv)
    plsc.subcore_barrier()

    def chunk(j, _):
        pltpu.sync_copy(rbuf, acc.at[colv.at[j]], add=True)
        return 0

    lax.fori_loop(0, NCH, chunk, 0)
    plsc.subcore_barrier()
    pltpu.sync_copy(
        acc.at[pl.ds(base, ROWS_PER_TILE)],
        out_hbm.at[c, pl.ds(base, ROWS_PER_TILE)],
    )


@functools.partial(
    pl.kernel,
    out_type=jax.ShapeDtypeStruct((NC, N_PAD, H), jnp.float32),
    mesh=_mesh,
    scratch_types=[
        pltpu.VMEM((NCH, CH), jnp.int32),
        pltpu.VMEM((NCH, CH), jnp.int32),
        pltpu.VMEM((CH, H), jnp.float32),
        pltpu.VMEM_SHARED((N_PAD, H), jnp.float32),
    ],
)
def _spmm_call(hs_hbm, rows3_hbm, cols3_hbm, out_hbm, rowv, colv, rbuf, acc):
    c = lax.axis_index("c")
    s = lax.axis_index("s")
    w = s * NC + c
    base = s * ROWS_PER_TILE

    _zero_my_slice(rbuf, acc, s)
    pltpu.sync_copy(rows3_hbm.at[w], rowv)
    pltpu.sync_copy(cols3_hbm.at[w], colv)
    plsc.subcore_barrier()

    def chunk(j, _):
        pltpu.sync_copy(hs_hbm.at[rowv.at[j]], rbuf)
        pltpu.sync_copy(rbuf, acc.at[colv.at[j]], add=True)
        return 0

    lax.fori_loop(0, NCH, chunk, 0)
    plsc.subcore_barrier()
    pltpu.sync_copy(
        acc.at[pl.ds(base, ROWS_PER_TILE)],
        out_hbm.at[c, pl.ds(base, ROWS_PER_TILE)],
    )


R = 2528
_GRID = N_PAD // R


def _k0_body(x_ref, w_ref, b_ref, degp_ref, h_ref, hs_ref, nn_ref):
    deg = degp_ref[0, :, 0] + degp_ref[1, :, 0]
    nn = jnp.where(deg > 0.0, lax.rsqrt(deg), 0.0)
    h = jnp.dot(x_ref[...], w_ref[...], preferred_element_type=jnp.float32)
    h = jnp.maximum(h + b_ref[...], 0.0)
    h_ref[...] = h
    hs_ref[...] = h * nn[:, None]
    nn_ref[...] = nn[:, None]


def _combine(p_ref, h_ref, nn_ref, ctxw_ref, ctxb_ref, wa_ref, wb_ref):
    nn = nn_ref[...]
    h = h_ref[...]
    hi = (p_ref[0] + p_ref[1]) * nn
    logit = jnp.dot(h, ctxw_ref[...], preferred_element_type=jnp.float32)
    logit = logit + ctxb_ref[...]
    m = jnp.max(logit, axis=-1, keepdims=True)
    e = jnp.exp(logit - m)
    z = e / jnp.sum(e, axis=-1, keepdims=True)
    y = jnp.dot(hi, wa_ref[...], preferred_element_type=jnp.float32)
    y = y + jnp.dot(h, wb_ref[...], preferred_element_type=jnp.float32)
    acc = h
    for k in range(K):
        acc = acc + z[:, k:k + 1] * y[:, k * H:(k + 1) * H]
    return jnp.maximum(acc, 0.0), nn


def _k1_body(p_ref, h_ref, nn_ref, ctxw_ref, ctxb_ref, wa_ref, wb_ref,
             ho_ref, hso_ref):
    ho, nn = _combine(p_ref, h_ref, nn_ref, ctxw_ref, ctxb_ref, wa_ref, wb_ref)
    ho_ref[...] = ho
    hso_ref[...] = ho * nn


def _k2_body(p_ref, h_ref, nn_ref, ctxw_ref, ctxb_ref, wa_ref, wb_ref,
             fc1w_ref, fc1b_ref, out_ref):
    ho, _ = _combine(p_ref, h_ref, nn_ref, ctxw_ref, ctxb_ref, wa_ref, wb_ref)
    out = jnp.dot(ho, fc1w_ref[...], preferred_element_type=jnp.float32)
    out_ref[...] = out + fc1b_ref[...]


_row_spec = pl.BlockSpec((R, H), lambda i: (i, 0))
_p_spec = pl.BlockSpec((NC, R, H), lambda i: (0, i, 0))
_nn_spec = pl.BlockSpec((R, 1), lambda i: (i, 0))
_full = lambda shape: pl.BlockSpec(shape, lambda i: tuple(0 for _ in shape))

_k0 = pl.pallas_call(
    _k0_body,
    grid=(_GRID,),
    in_specs=[_row_spec, _full((D, H)), _full((1, H)),
              pl.BlockSpec((NC, R, H), lambda i: (0, i, 0))],
    out_specs=[_row_spec, _row_spec, _nn_spec],
    out_shape=[jax.ShapeDtypeStruct((N_PAD, H), jnp.float32),
               jax.ShapeDtypeStruct((N_PAD, H), jnp.float32),
               jax.ShapeDtypeStruct((N_PAD, 1), jnp.float32)],
)

_k1 = pl.pallas_call(
    _k1_body,
    grid=(_GRID,),
    in_specs=[_p_spec, _row_spec, _nn_spec, _full((H, K)), _full((1, K)),
              _full((H, K * H)), _full((H, K * H))],
    out_specs=[_row_spec, _row_spec],
    out_shape=[jax.ShapeDtypeStruct((N_PAD, H), jnp.float32),
               jax.ShapeDtypeStruct((N_PAD, H), jnp.float32)],
)

_k2 = pl.pallas_call(
    _k2_body,
    grid=(_GRID,),
    in_specs=[_p_spec, _row_spec, _nn_spec, _full((H, K)), _full((1, K)),
              _full((H, K * H)), _full((H, K * H)),
              _full((H, C)), _full((1, C))],
    out_specs=pl.BlockSpec((R, C), lambda i: (i, 0)),
    out_shape=jax.ShapeDtypeStruct((N_PAD, C), jnp.float32),
)


def kernel(x, adj, fc0_W, fc0_b, ctx_W0, ctx_b0, conv_W0, ctx_W1, ctx_b1,
           conv_W1, fc1_W, fc1_b):
    pad = jnp.full((E_PAD - E,), N, dtype=jnp.int32)
    rows3 = jnp.concatenate([adj[0], pad]).reshape(NW, NCH, CH)
    cols3 = jnp.concatenate([adj[1], pad]).reshape(NW, NCH, CH)
    x_p = jnp.concatenate([x, jnp.zeros((N_PAD - N, D), x.dtype)], axis=0)

    degp = _deg_call(cols3)
    h, hs, nn = _k0(x_p, fc0_W, fc0_b.reshape(1, H), degp)

    for li, (ctx_W, ctx_b, conv_W) in enumerate(
            ((ctx_W0, ctx_b0, conv_W0), (ctx_W1, ctx_b1, conv_W1))):
        wa = jnp.transpose(conv_W[:, :H, :], (1, 0, 2)).reshape(H, K * H)
        wb = jnp.transpose(conv_W[:, H:, :], (1, 0, 2)).reshape(H, K * H)
        p = _spmm_call(hs, rows3, cols3)
        if li == 0:
            h, hs = _k1(p, h, nn, ctx_W, ctx_b.reshape(1, K), wa, wb)
        else:
            out = _k2(p, h, nn, ctx_W, ctx_b.reshape(1, K), wa, wb,
                      fc1_W, fc1_b.reshape(1, C))
    return out[:N]

# --- scband reference (transcript-rebuilt; emitter-appended) ---
"""Pipeline reference for scband-glind-50792283243061 (READ-ONLY COPY).

The authoritative reference and input builder live on the scoring server;
editing this copy changes nothing except your own understanding.
"""

import jax, jax.numpy as jnp
import numpy as np

N = 10000
E = 320000
D = 128
H = 128
C = 64
K = 4
TAU = 1.0


def gcn_conv(x, edge_index):
    n = x.shape[0]
    row = edge_index[0]
    col = edge_index[1]
    deg = jnp.zeros((n,), dtype=x.dtype).at[col].add(1.0)
    d_norm_in = jnp.sqrt(1.0 / deg[col])
    d_norm_out = jnp.sqrt(1.0 / deg[row])
    val = jnp.nan_to_num(d_norm_in * d_norm_out, nan=0.0, posinf=0.0, neginf=0.0)
    return jnp.zeros_like(x).at[col].add(val[:, None] * x[row])


def glind_conv(h, adj, z, W):
    hi = gcn_conv(h, adj)
    hi = jnp.concatenate([hi, h], axis=1)
    outputs = jnp.einsum('nd,kdo->nko', hi, W)
    out = jnp.sum(z[:, :, None] * outputs, axis=1)
    return out + h


def setup_inputs(seed: int = 0):
    key = jax.random.key(seed)
    ks = jax.random.split(key, 12)
    s = 1.0 / np.sqrt(H)
    x = jax.random.normal(ks[0], (N, D), dtype=jnp.float32)
    adj = jax.random.randint(ks[1], (2, E), 0, N, dtype=jnp.int32)
    fc0_W = jax.random.uniform(ks[2], (D, H), minval=-s, maxval=s, dtype=jnp.float32)
    fc0_b = jnp.zeros((H,), dtype=jnp.float32)
    ctx_W0 = jax.random.uniform(ks[3], (H, K), minval=-s, maxval=s, dtype=jnp.float32)
    ctx_b0 = jnp.zeros((K,), dtype=jnp.float32)
    conv_W0 = jax.random.uniform(ks[4], (K, 2 * H, H), minval=-s, maxval=s, dtype=jnp.float32)
    ctx_W1 = jax.random.uniform(ks[5], (H, K), minval=-s, maxval=s, dtype=jnp.float32)
    ctx_b1 = jnp.zeros((K,), dtype=jnp.float32)
    conv_W1 = jax.random.uniform(ks[6], (K, 2 * H, H), minval=-s, maxval=s, dtype=jnp.float32)
    fc1_W = jax.random.uniform(ks[7], (H, C), minval=-s, maxval=s, dtype=jnp.float32)
    fc1_b = jnp.zeros((C,), dtype=jnp.float32)
    return {'x': x, 'adj': adj, 'fc0_W': fc0_W, 'fc0_b': fc0_b, 'ctx_W0': ctx_W0, 'ctx_b0': ctx_b0, 'conv_W0': conv_W0, 'ctx_W1': ctx_W1, 'ctx_b1': ctx_b1, 'conv_W1': conv_W1, 'fc1_W': fc1_W, 'fc1_b': fc1_b}


def reference(x, adj, fc0_W, fc0_b, ctx_W0, ctx_b0, conv_W0, ctx_W1, ctx_b1, conv_W1, fc1_W, fc1_b):
    h = jax.nn.relu(x @ fc0_W + fc0_b)
    for ctx_W, ctx_b, conv_W in ((ctx_W0, ctx_b0, conv_W0), (ctx_W1, ctx_b1, conv_W1)):
        logit = h @ ctx_W + ctx_b
        z = jax.nn.softmax(logit / TAU, axis=-1)
        h = jax.nn.relu(glind_conv(h, adj, z, conv_W))
    out = h @ fc1_W + fc1_b
    return out

if __name__ == "__main__":
    import jax
    _d = setup_inputs()
    print(jax.jit(kernel)(*tuple(_d.values())))

</pallas_src>

<mosaic_0001>
#map = affine_map<(d0, d1) -> (0, 0)>
#map1 = affine_map<(d0, d1) -> (0, 0, 0)>
module attributes {stable_mosaic.version = 14 : i64} {
  func.func @_spmm_call(%arg0: i32, %arg1: i32, %arg2: memref<10112x128xf32, #tpu.memory_space<hbm>>, %arg3: memref<32x79x128xi32, #tpu.memory_space<hbm>>, %arg4: memref<32x79x128xi32, #tpu.memory_space<hbm>>, %arg5: memref<2x10112x128xf32, #tpu.memory_space<hbm>>, %arg6: memref<79x128xi32, #tpu.memory_space<vmem>>, %arg7: memref<79x128xi32, #tpu.memory_space<vmem>>, %arg8: memref<128x128xf32, #tpu.memory_space<vmem>>, %arg9: memref<10112x128xf32, #tpu.memory_space<vmem_shared>>) attributes {dimension_semantics = [#tpu.dimension_semantics<core_parallel>, #tpu.dimension_semantics<subcore_parallel>], iteration_bounds = array<i64: 2, 16>, scalar_prefetch = 0 : i64, scratch_operands = 4 : i64, tpu.core_type = #tpu.core_type<sc_vector_subcore>, window_params = [{transform_indices = #map}, {transform_indices = #map1}, {transform_indices = #map1}, {transform_indices = #map1}]} {
    %mul3A = arith.constant 2 : i32
    %mul3A_0 = arith.muli %arg1, %mul3A : i32
    %add3A = arith.addi %mul3A_0, %arg0 : i32
    %mul3A_1 = arith.constant 632 : i32
    %mul3A_2 = arith.muli %arg1, %mul3A_1 : i32
    %scan3A = arith.constant 0 : i32
    %scan3A_3 = arith.constant 0 : i32
    %scan3A_4 = arith.constant 1024 : i32
    %scan3A_5 = arith.addi %scan3A_3, %scan3A_4 : i32
    %scan3A_6 = arith.constant 1 : i32
    %scan3A_7 = scf.for %scan3A_29 = %scan3A_3 to %scan3A_5 step %scan3A_6 iter_args(%scan3A_30 = %scan3A) -> (i32)  : i32 {
      %broadcast_in_dim3A = arith.constant 0.000000e+00 : f32
      %broadcast_in_dim3A_31 = vector.broadcast %broadcast_in_dim3A : f32 to vector<16xf32>
      %jit3A = arith.constant 8 : i32
      %div3A = arith.divsi %scan3A_29, %jit3A : i32
      %sign3A = arith.constant 0 : i32
      %sign3A_32 = arith.cmpi sgt, %scan3A_29, %sign3A : i32
      %sign3A_33 = arith.extui %sign3A_32 : i1 to i32
      %sign3A_34 = arith.constant 0 : i32
      %sign3A_35 = arith.cmpi slt, %scan3A_29, %sign3A_34 : i32
      %sign3A_36 = arith.extui %sign3A_35 : i1 to i32
      %sign3A_37 = arith.subi %sign3A_33, %sign3A_36 : i32
      %sign3A_38 = arith.constant 0 : i32
      %sign3A_39 = arith.cmpi sgt, %jit3A, %sign3A_38 : i32
      %sign3A_40 = arith.extui %sign3A_39 : i1 to i32
      %sign3A_41 = arith.constant 0 : i32
      %sign3A_42 = arith.cmpi slt, %jit3A, %sign3A_41 : i32
      %sign3A_43 = arith.extui %sign3A_42 : i1 to i32
      %sign3A_44 = arith.subi %sign3A_40, %sign3A_43 : i32
      %ne3A = arith.cmpi ne, %sign3A_37, %sign3A_44 : i32
      %rem3A = arith.remsi %scan3A_29, %jit3A : i32
      %ne3A_45 = arith.constant 0 : i32
      %ne3A_46 = arith.cmpi ne, %rem3A, %ne3A_45 : i32
      %and3A = arith.andi %ne3A, %ne3A_46 : i1
      %sub3A = arith.constant 1 : i32
      %sub3A_47 = arith.subi %div3A, %sub3A : i32
      %select_n3A = arith.select %and3A, %sub3A_47, %div3A : i32
      %jit3A_48 = arith.constant 8 : i32
      %eq3A = arith.constant 0 : i32
      %eq3A_49 = arith.cmpi eq, %jit3A_48, %eq3A : i32
      %jit3A_50 = arith.constant 1 : i32
      %select_n3A_51 = arith.select %eq3A_49, %jit3A_50, %jit3A_48 : i32
      %rem3A_52 = arith.remsi %scan3A_29, %select_n3A_51 : i32
      %ne3A_53 = arith.constant 0 : i32
      %ne3A_54 = arith.cmpi ne, %rem3A_52, %ne3A_53 : i32
      %lt3A = arith.constant 0 : i32
      %lt3A_55 = arith.cmpi slt, %rem3A_52, %lt3A : i32
      %lt3A_56 = arith.constant 0 : i32
      %lt3A_57 = arith.cmpi slt, %select_n3A_51, %lt3A_56 : i32
      %ne3A_58 = arith.xori %lt3A_55, %lt3A_57 : i1
      %and3A_59 = arith.andi %ne3A_58, %ne3A_54 : i1
      %add3A_60 = arith.addi %rem3A_52, %select_n3A_51 : i32
      %select_n3A_61 = arith.select %and3A_59, %add3A_60, %rem3A_52 : i32
      %mul3A_62 = arith.constant 16 : i32
      %mul3A_63 = arith.muli %select_n3A_61, %mul3A_62 : i32
      %swap3A = arith.index_cast %select_n3A : i32 to index
      %swap3A_64 = arith.index_cast %mul3A_63 : i32 to index
      %swap3A_65 = tpu.vector_load %arg8[%swap3A, %swap3A_64] {strides = array<i32>} : memref<128x128xf32, #tpu.memory_space<vmem>>, vector<1x16xf32>,
      %swap3A_66 = vector.shape_cast %swap3A_65 : vector<1x16xf32> to vector<16xf32>
      %swap3A_67 = vector.shape_cast %broadcast_in_dim3A_31 : vector<16xf32> to vector<1x16xf32>
      tpu.vector_store %arg8[%swap3A, %swap3A_64], %swap3A_67 {strides = array<i32>} : memref<128x128xf32, #tpu.memory_space<vmem>>, vector<1x16xf32>,
      %scan3A_68 = arith.constant 0 : i32
      scf.yield %scan3A_68 : i32
    }
    %scan3A_8 = arith.constant 1024 : i32
    %mul3A_9 = arith.constant 632 : i32
    %mul3A_10 = arith.muli %arg1, %mul3A_9 : i32
    %add3A_11 = arith.constant 0 : i32
    %add3A_12 = arith.addi %mul3A_10, %add3A_11 : i32
    "tpu.region"() ({
      %run_scoped3A = tpu.sem_alloc : memref<!tpu.dma_semaphore, #tpu.memory_space<semaphore_mem>>
      %dma_start3A = arith.constant 0 : i32
      %dma_start3A_29 = tpu.memref_slice %arg9[%add3A_12, %dma_start3A] : memref<10112x128xf32, #tpu.memory_space<vmem_shared>> -> memref<128x128xf32, #tpu.memory_space<vmem_shared>>
      %dma_start3A_30 = arith.constant 0 : i32
      %dma_start3A_31 = tpu.memref_slice %arg9[%add3A_12, %dma_start3A_30] : memref<10112x128xf32, #tpu.memory_space<vmem_shared>> -> memref<128x128xf32, #tpu.memory_space<vmem_shared>>
      tpu.enqueue_dma source(%arg8 : memref<128x128xf32, #tpu.memory_space<vmem>>) target(%dma_start3A_31 : memref<128x128xf32, #tpu.memory_space<vmem_shared>>) target_semaphore(%run_scoped3A : memref<!tpu.dma_semaphore, #tpu.memory_space<semaphore_mem>>)
      %dma_wait3A = arith.constant 0 : i32
      %dma_wait3A_32 = tpu.memref_slice %arg9[%add3A_12, %dma_wait3A] : memref<10112x128xf32, #tpu.memory_space<vmem_shared>> -> memref<128x128xf32, #tpu.memory_space<vmem_shared>>
      %dma_wait3A_33 = arith.constant 0 : i32
      %dma_wait3A_34 = tpu.memref_slice %arg9[%add3A_12, %dma_wait3A_33] : memref<10112x128xf32, #tpu.memory_space<vmem_shared>> -> memref<128x128xf32, #tpu.memory_space<vmem_shared>>
      tpu.wait_dma2 semaphore(%run_scoped3A : memref<!tpu.dma_semaphore, #tpu.memory_space<semaphore_mem>>) src(%arg8 : memref<128x128xf32, #tpu.memory_space<vmem>>) dst(%dma_wait3A_34 : memref<128x128xf32, #tpu.memory_space<vmem_shared>>)
      tpu.yield
    }) : () -> ()
    %add3A_13 = arith.constant 128 : i32
    %add3A_14 = arith.addi %mul3A_10, %add3A_13 : i32
    "tpu.region"() ({
      %run_scoped3A = tpu.sem_alloc : memref<!tpu.dma_semaphore, #tpu.memory_space<semaphore_mem>>
      %dma_start3A = arith.constant 0 : i32
      %dma_start3A_29 = tpu.memref_slice %arg9[%add3A_14, %dma_start3A] : memref<10112x128xf32, #tpu.memory_space<vmem_shared>> -> memref<128x128xf32, #tpu.memory_space<vmem_shared>>
      %dma_start3A_30 = arith.constant 0 : i32
      %dma_start3A_31 = tpu.memref_slice %arg9[%add3A_14, %dma_start3A_30] : memref<10112x128xf32, #tpu.memory_space<vmem_shared>> -> memref<128x128xf32, #tpu.memory_space<vmem_shared>>
      tpu.enqueue_dma source(%arg8 : memref<128x128xf32, #tpu.memory_space<vmem>>) target(%dma_start3A_31 : memref<128x128xf32, #tpu.memory_space<vmem_shared>>) target_semaphore(%run_scoped3A : memref<!tpu.dma_semaphore, #tpu.memory_space<semaphore_mem>>)
      %dma_wait3A = arith.constant 0 : i32
      %dma_wait3A_32 = tpu.memref_slice %arg9[%add3A_14, %dma_wait3A] : memref<10112x128xf32, #tpu.memory_space<vmem_shared>> -> memref<128x128xf32, #tpu.memory_space<vmem_shared>>
      %dma_wait3A_33 = arith.constant 0 : i32
      %dma_wait3A_34 = tpu.memref_slice %arg9[%add3A_14, %dma_wait3A_33] : memref<10112x128xf32, #tpu.memory_space<vmem_shared>> -> memref<128x128xf32, #tpu.memory_space<vmem_shared>>
      tpu.wait_dma2 semaphore(%run_scoped3A : memref<!tpu.dma_semaphore, #tpu.memory_space<semaphore_mem>>) src(%arg8 : memref<128x128xf32, #tpu.memory_space<vmem>>) dst(%dma_wait3A_34 : memref<128x128xf32, #tpu.memory_space<vmem_shared>>)
      tpu.yield
    }) : () -> ()
    %add3A_15 = arith.constant 256 : i32
    %add3A_16 = arith.addi %mul3A_10, %add3A_15 : i32
    "tpu.region"() ({
      %run_scoped3A = tpu.sem_alloc : memref<!tpu.dma_semaphore, #tpu.memory_space<semaphore_mem>>
      %dma_start3A = arith.constant 0 : i32
      %dma_start3A_29 = tpu.memref_slice %arg9[%add3A_16, %dma_start3A] : memref<10112x128xf32, #tpu.memory_space<vmem_shared>> -> memref<128x128xf32, #tpu.memory_space<vmem_shared>>
      %dma_start3A_30 = arith.constant 0 : i32
      %dma_start3A_31 = tpu.memref_slice %arg9[%add3A_16, %dma_start3A_30] : memref<10112x128xf32, #tpu.memory_space<vmem_shared>> -> memref<128x128xf32, #tpu.memory_space<vmem_shared>>
      tpu.enqueue_dma source(%arg8 : memref<128x128xf32, #tpu.memory_space<vmem>>) target(%dma_start3A_31 : memref<128x128xf32, #tpu.memory_space<vmem_shared>>) target_semaphore(%run_scoped3A : memref<!tpu.dma_semaphore, #tpu.memory_space<semaphore_mem>>)
      %dma_wait3A = arith.constant 0 : i32
      %dma_wait3A_32 = tpu.memref_slice %arg9[%add3A_16, %dma_wait3A] : memref<10112x128xf32, #tpu.memory_space<vmem_shared>> -> memref<128x128xf32, #tpu.memory_space<vmem_shared>>
      %dma_wait3A_33 = arith.constant 0 : i32
      %dma_wait3A_34 = tpu.memref_slice %arg9[%add3A_16, %dma_wait3A_33] : memref<10112x128xf32, #tpu.memory_space<vmem_shared>> -> memref<128x128xf32, #tpu.memory_space<vmem_shared>>
      tpu.wait_dma2 semaphore(%run_scoped3A : memref<!tpu.dma_semaphore, #tpu.memory_space<semaphore_mem>>) src(%arg8 : memref<128x128xf32, #tpu.memory_space<vmem>>) dst(%dma_wait3A_34 : memref<128x128xf32, #tpu.memory_space<vmem_shared>>)
      tpu.yield
    }) : () -> ()
    %add3A_17 = arith.constant 384 : i32
    %add3A_18 = arith.addi %mul3A_10, %add3A_17 : i32
    "tpu.region"() ({
      %run_scoped3A = tpu.sem_alloc : memref<!tpu.dma_semaphore, #tpu.memory_space<semaphore_mem>>
      %dma_start3A = arith.constant 0 : i32
      %dma_start3A_29 = tpu.memref_slice %arg9[%add3A_18, %dma_start3A] : memref<10112x128xf32, #tpu.memory_space<vmem_shared>> -> memref<128x128xf32, #tpu.memory_space<vmem_shared>>
      %dma_start3A_30 = arith.constant 0 : i32
      %dma_start3A_31 = tpu.memref_slice %arg9[%add3A_18, %dma_start3A_30] : memref<10112x128xf32, #tpu.memory_space<vmem_shared>> -> memref<128x128xf32, #tpu.memory_space<vmem_shared>>
      tpu.enqueue_dma source(%arg8 : memref<128x128xf32, #tpu.memory_space<vmem>>) target(%dma_start3A_31 : memref<128x128xf32, #tpu.memory_space<vmem_shared>>) target_semaphore(%run_scoped3A : memref<!tpu.dma_semaphore, #tpu.memory_space<semaphore_mem>>)
      %dma_wait3A = arith.constant 0 : i32
      %dma_wait3A_32 = tpu.memref_slice %arg9[%add3A_18, %dma_wait3A] : memref<10112x128xf32, #tpu.memory_space<vmem_shared>> -> memref<128x128xf32, #tpu.memory_space<vmem_shared>>
      %dma_wait3A_33 = arith.constant 0 : i32
      %dma_wait3A_34 = tpu.memref_slice %arg9[%add3A_18, %dma_wait3A_33] : memref<10112x128xf32, #tpu.memory_space<vmem_shared>> -> memref<128x128xf32, #tpu.memory_space<vmem_shared>>
      tpu.wait_dma2 semaphore(%run_scoped3A : memref<!tpu.dma_semaphore, #tpu.memory_space<semaphore_mem>>) src(%arg8 : memref<128x128xf32, #tpu.memory_space<vmem>>) dst(%dma_wait3A_34 : memref<128x128xf32, #tpu.memory_space<vmem_shared>>)
      tpu.yield
    }) : () -> ()
    %add3A_19 = arith.constant 512 : i32
    %add3A_20 = arith.addi %mul3A_10, %add3A_19 : i32
    "tpu.region"() ({
      %run_scoped3A = tpu.sem_alloc : memref<!tpu.dma_semaphore, #tpu.memory_space<semaphore_mem>>
      %dma_start3A = arith.constant 0 : i32
      %dma_start3A_29 = arith.constant 0 : i32
      %dma_start3A_30 = tpu.memref_slice %arg8[%dma_start3A, %dma_start3A_29] : memref<128x128xf32, #tpu.memory_space<vmem>> -> memref<120x128xf32, #tpu.memory_space<vmem>>
      %dma_start3A_31 = arith.constant 0 : i32
      %dma_start3A_32 = tpu.memref_slice %arg9[%add3A_20, %dma_start3A_31] : memref<10112x128xf32, #tpu.memory_space<vmem_shared>> -> memref<120x128xf32, #tpu.memory_space<vmem_shared>>
      %dma_start3A_33 = arith.constant 0 : i32
      %dma_start3A_34 = tpu.memref_slice %arg9[%add3A_20, %dma_start3A_33] : memref<10112x128xf32, #tpu.memory_space<vmem_shared>> -> memref<120x128xf32, #tpu.memory_space<vmem_shared>>
      %dma_start3A_35 = arith.constant 0 : i32
      %dma_start3A_36 = arith.constant 0 : i32
      %dma_start3A_37 = tpu.memref_slice %arg8[%dma_start3A_35, %dma_start3A_36] : memref<128x128xf32, #tpu.memory_space<vmem>> -> memref<120x128xf32, #tpu.memory_space<vmem>>
      tpu.enqueue_dma source(%dma_start3A_37 : memref<120x128xf32, #tpu.memory_space<vmem>>) target(%dma_start3A_34 : memref<120x128xf32, #tpu.memory_space<vmem_shared>>) target_semaphore(%run_scoped3A : memref<!tpu.dma_semaphore, #tpu.memory_space<semaphore_mem>>)
      %dma_wait3A = arith.constant 0 : i32
      %dma_wait3A_38 = arith.constant 0 : i32
      %dma_wait3A_39 = tpu.memref_slice %arg8[%dma_wait3A, %dma_wait3A_38] : memref<128x128xf32, #tpu.memory_space<vmem>> -> memref<120x128xf32, #tpu.memory_space<vmem>>
      %dma_wait3A_40 = arith.constant 0 : i32
      %dma_wait3A_41 = tpu.memref_slice %arg9[%add3A_20, %dma_wait3A_40] : memref<10112x128xf32, #tpu.memory_space<vmem_shared>> -> memref<120x128xf32, #tpu.memory_space<vmem_shared>>
      %dma_wait3A_42 = arith.constant 0 : i32
      %dma_wait3A_43 = tpu.memref_slice %arg9[%add3A_20, %dma_wait3A_42] : memref<10112x128xf32, #tpu.memory_space<vmem_shared>> -> memref<120x128xf32, #tpu.memory_space<vmem_shared>>
      %dma_wait3A_44 = arith.constant 0 : i32
      %dma_wait3A_45 = arith.constant 0 : i32
      %dma_wait3A_46 = tpu.memref_slice %arg8[%dma_wait3A_44, %dma_wait3A_45] : memref<128x128xf32, #tpu.memory_space<vmem>> -> memref<120x128xf32, #tpu.memory_space<vmem>>
      tpu.wait_dma2 semaphore(%run_scoped3A : memref<!tpu.dma_semaphore, #tpu.memory_space<semaphore_mem>>) src(%dma_wait3A_46 : memref<120x128xf32, #tpu.memory_space<vmem>>) dst(%dma_wait3A_43 : memref<120x128xf32, #tpu.memory_space<vmem_shared>>)
      tpu.yield
    }) : () -> ()
    "tpu.region"() ({
      %run_scoped3A = tpu.sem_alloc : memref<!tpu.dma_semaphore, #tpu.memory_space<semaphore_mem>>
      %dma_start3A = arith.constant 0 : i32
      %dma_start3A_29 = arith.constant 0 : i32
      %dma_start3A_30 = tpu.memref_slice %arg3[%add3A, %dma_start3A, %dma_start3A_29] : memref<32x79x128xi32, #tpu.memory_space<hbm>> -> memref<1x79x128xi32, #tpu.memory_space<hbm>>
      %dma_start3A_31 = tpu.memref_squeeze %dma_start3A_30 : memref<1x79x128xi32, #tpu.memory_space<hbm>> -> memref<79x128xi32, #tpu.memory_space<hbm>>
      %dma_start3A_32 = arith.constant 0 : i32
      %dma_start3A_33 = arith.constant 0 : i32
      %dma_start3A_34 = tpu.memref_slice %arg3[%add3A, %dma_start3A_32, %dma_start3A_33] : memref<32x79x128xi32, #tpu.memory_space<hbm>> -> memref<1x79x128xi32, #tpu.memory_space<hbm>>
      %dma_start3A_35 = tpu.memref_squeeze %dma_start3A_34 : memref<1x79x128xi32, #tpu.memory_space<hbm>> -> memref<79x128xi32, #tpu.memory_space<hbm>>
      tpu.enqueue_dma source(%dma_start3A_35 : memref<79x128xi32, #tpu.memory_space<hbm>>) target(%arg6 : memref<79x128xi32, #tpu.memory_space<vmem>>) target_semaphore(%run_scoped3A : memref<!tpu.dma_semaphore, #tpu.memory_space<semaphore_mem>>)
      %dma_wait3A = arith.constant 0 : i32
      %dma_wait3A_36 = arith.constant 0 : i32
      %dma_wait3A_37 = tpu.memref_slice %arg3[%add3A, %dma_wait3A, %dma_wait3A_36] : memref<32x79x128xi32, #tpu.memory_space<hbm>> -> memref<1x79x128xi32, #tpu.memory_space<hbm>>
      %dma_wait3A_38 = tpu.memref_squeeze %dma_wait3A_37 : memref<1x79x128xi32, #tpu.memory_space<hbm>> -> memref<79x128xi32, #tpu.memory_space<hbm>>
      %dma_wait3A_39 = arith.constant 0 : i32
      %dma_wait3A_40 = arith.constant 0 : i32
      %dma_wait3A_41 = tpu.memref_slice %arg3[%add3A, %dma_wait3A_39, %dma_wait3A_40] : memref<32x79x128xi32, #tpu.memory_space<hbm>> -> memref<1x79x128xi32, #tpu.memory_space<hbm>>
      %dma_wait3A_42 = tpu.memref_squeeze %dma_wait3A_41 : memref<1x79x128xi32, #tpu.memory_space<hbm>> -> memref<79x128xi32, #tpu.memory_space<hbm>>
      tpu.wait_dma2 semaphore(%run_scoped3A : memref<!tpu.dma_semaphore, #tpu.memory_space<semaphore_mem>>) src(%dma_wait3A_42 : memref<79x128xi32, #tpu.memory_space<hbm>>) dst(%arg6 : memref<79x128xi32, #tpu.memory_space<vmem>>)
      tpu.yield
    }) : () -> ()
    "tpu.region"() ({
      %run_scoped3A = tpu.sem_alloc : memref<!tpu.dma_semaphore, #tpu.memory_space<semaphore_mem>>
      %dma_start3A = arith.constant 0 : i32
      %dma_start3A_29 = arith.constant 0 : i32
      %dma_start3A_30 = tpu.memref_slice %arg4[%add3A, %dma_start3A, %dma_start3A_29] : memref<32x79x128xi32, #tpu.memory_space<hbm>> -> memref<1x79x128xi32, #tpu.memory_space<hbm>>
      %dma_start3A_31 = tpu.memref_squeeze %dma_start3A_30 : memref<1x79x128xi32, #tpu.memory_space<hbm>> -> memref<79x128xi32, #tpu.memory_space<hbm>>
      %dma_start3A_32 = arith.constant 0 : i32
      %dma_start3A_33 = arith.constant 0 : i32
      %dma_start3A_34 = tpu.memref_slice %arg4[%add3A, %dma_start3A_32, %dma_start3A_33] : memref<32x79x128xi32, #tpu.memory_space<hbm>> -> memref<1x79x128xi32, #tpu.memory_space<hbm>>
      %dma_start3A_35 = tpu.memref_squeeze %dma_start3A_34 : memref<1x79x128xi32, #tpu.memory_space<hbm>> -> memref<79x128xi32, #tpu.memory_space<hbm>>
      tpu.enqueue_dma source(%dma_start3A_35 : memref<79x128xi32, #tpu.memory_space<hbm>>) target(%arg7 : memref<79x128xi32, #tpu.memory_space<vmem>>) target_semaphore(%run_scoped3A : memref<!tpu.dma_semaphore, #tpu.memory_space<semaphore_mem>>)
      %dma_wait3A = arith.constant 0 : i32
      %dma_wait3A_36 = arith.constant 0 : i32
      %dma_wait3A_37 = tpu.memref_slice %arg4[%add3A, %dma_wait3A, %dma_wait3A_36] : memref<32x79x128xi32, #tpu.memory_space<hbm>> -> memref<1x79x128xi32, #tpu.memory_space<hbm>>
      %dma_wait3A_38 = tpu.memref_squeeze %dma_wait3A_37 : memref<1x79x128xi32, #tpu.memory_space<hbm>> -> memref<79x128xi32, #tpu.memory_space<hbm>>
      %dma_wait3A_39 = arith.constant 0 : i32
      %dma_wait3A_40 = arith.constant 0 : i32
      %dma_wait3A_41 = tpu.memref_slice %arg4[%add3A, %dma_wait3A_39, %dma_wait3A_40] : memref<32x79x128xi32, #tpu.memory_space<hbm>> -> memref<1x79x128xi32, #tpu.memory_space<hbm>>
      %dma_wait3A_42 = tpu.memref_squeeze %dma_wait3A_41 : memref<1x79x128xi32, #tpu.memory_space<hbm>> -> memref<79x128xi32, #tpu.memory_space<hbm>>
      tpu.wait_dma2 semaphore(%run_scoped3A : memref<!tpu.dma_semaphore, #tpu.memory_space<semaphore_mem>>) src(%dma_wait3A_42 : memref<79x128xi32, #tpu.memory_space<hbm>>) dst(%arg7 : memref<79x128xi32, #tpu.memory_space<vmem>>)
      tpu.yield
    }) : () -> ()
    %barrier3A = arith.constant 0 : index
    tpu.barrier barrier_id(%barrier3A)
    %scan3A_21 = arith.constant 0 : i32
    %scan3A_22 = arith.constant 0 : i32
    %scan3A_23 = arith.constant 79 : i32
    %scan3A_24 = arith.addi %scan3A_22, %scan3A_23 : i32
    %scan3A_25 = arith.constant 1 : i32
    %scan3A_26 = scf.for %scan3A_29 = %scan3A_22 to %scan3A_24 step %scan3A_25 iter_args(%scan3A_30 = %scan3A_21) -> (i32)  : i32 {
      "tpu.region"() ({
        %run_scoped3A = tpu.sem_alloc : memref<!tpu.dma_semaphore, #tpu.memory_space<semaphore_mem>>
        %dma_start3A = arith.constant 0 : i32
        %dma_start3A_32 = tpu.memref_slice %arg6[%scan3A_29, %dma_start3A] : memref<79x128xi32, #tpu.memory_space<vmem>> -> memref<1x128xi32, #tpu.memory_space<vmem>>
        %dma_start3A_33 = tpu.memref_squeeze %dma_start3A_32 : memref<1x128xi32, #tpu.memory_space<vmem>> -> memref<128xi32, #tpu.memory_space<vmem>>
        %dma_start3A_34 = arith.constant 0 : i32
        %dma_start3A_35 = arith.constant 0 : i32
        %dma_start3A_36 = tpu.memref_slice %arg2[%dma_start3A_34, %dma_start3A_35] : memref<10112x128xf32, #tpu.memory_space<hbm>> -> memref<10112x128xf32, #tpu.memory_space<hbm>>
        tpu.enqueue_indirect_dma source(%dma_start3A_36 : memref<10112x128xf32, #tpu.memory_space<hbm>>) target(%arg8 : memref<128x128xf32, #tpu.memory_space<vmem>>) offsets(%dma_start3A_33 : memref<128xi32, #tpu.memory_space<vmem>>) semaphore(%run_scoped3A : memref<!tpu.dma_semaphore, #tpu.memory_space<semaphore_mem>>)
        %dma_wait3A = arith.constant 0 : i32
        %dma_wait3A_37 = tpu.memref_slice %arg6[%scan3A_29, %dma_wait3A] : memref<79x128xi32, #tpu.memory_space<vmem>> -> memref<1x128xi32, #tpu.memory_space<vmem>>
        %dma_wait3A_38 = tpu.memref_squeeze %dma_wait3A_37 : memref<1x128xi32, #tpu.memory_space<vmem>> -> memref<128xi32, #tpu.memory_space<vmem>>
        %dma_wait3A_39 = arith.constant 0 : i32
        %dma_wait3A_40 = arith.constant 0 : i32
        %dma_wait3A_41 = tpu.memref_slice %arg2[%dma_wait3A_39, %dma_wait3A_40] : memref<10112x128xf32, #tpu.memory_space<hbm>> -> memref<10112x128xf32, #tpu.memory_space<hbm>>
        tpu.wait_indirect_dma semaphore(%run_scoped3A : memref<!tpu.dma_semaphore, #tpu.memory_space<semaphore_mem>>) src(%dma_wait3A_41 : memref<10112x128xf32, #tpu.memory_space<hbm>>) dst(%arg8 : memref<128x128xf32, #tpu.memory_space<vmem>>)
        tpu.yield
      }) : () -> ()
      "tpu.region"() ({
        %run_scoped3A = tpu.sem_alloc : memref<!tpu.dma_semaphore, #tpu.memory_space<semaphore_mem>>
        %dma_start3A = arith.constant 0 : i32
        %dma_start3A_32 = tpu.memref_slice %arg7[%scan3A_29, %dma_start3A] : memref<79x128xi32, #tpu.memory_space<vmem>> -> memref<1x128xi32, #tpu.memory_space<vmem>>
        %dma_start3A_33 = tpu.memref_squeeze %dma_start3A_32 : memref<1x128xi32, #tpu.memory_space<vmem>> -> memref<128xi32, #tpu.memory_space<vmem>>
        %dma_start3A_34 = arith.constant 0 : i32
        %dma_start3A_35 = arith.constant 0 : i32
        %dma_start3A_36 = tpu.memref_slice %arg9[%dma_start3A_34, %dma_start3A_35] : memref<10112x128xf32, #tpu.memory_space<vmem_shared>> -> memref<10112x128xf32, #tpu.memory_space<vmem_shared>>
        tpu.enqueue_indirect_dma source(%arg8 : memref<128x128xf32, #tpu.memory_space<vmem>>) target(%dma_start3A_36 : memref<10112x128xf32, #tpu.memory_space<vmem_shared>>) offsets(%dma_start3A_33 : memref<128xi32, #tpu.memory_space<vmem>>) semaphore(%run_scoped3A : memref<!tpu.dma_semaphore, #tpu.memory_space<semaphore_mem>>) {add = true}
        %dma_wait3A = arith.constant 0 : i32
        %dma_wait3A_37 = tpu.memref_slice %arg7[%scan3A_29, %dma_wait3A] : memref<79x128xi32, #tpu.memory_space<vmem>> -> memref<1x128xi32, #tpu.memory_space<vmem>>
        %dma_wait3A_38 = tpu.memref_squeeze %dma_wait3A_37 : memref<1x128xi32, #tpu.memory_space<vmem>> -> memref<128xi32, #tpu.memory_space<vmem>>
        %dma_wait3A_39 = arith.constant 0 : i32
        %dma_wait3A_40 = arith.constant 0 : i32
        %dma_wait3A_41 = tpu.memref_slice %arg9[%dma_wait3A_39, %dma_wait3A_40] : memref<10112x128xf32, #tpu.memory_space<vmem_shared>> -> memref<10112x128xf32, #tpu.memory_space<vmem_shared>>
        tpu.wait_indirect_dma semaphore(%run_scoped3A : memref<!tpu.dma_semaphore, #tpu.memory_space<semaphore_mem>>) src(%arg8 : memref<128x128xf32, #tpu.memory_space<vmem>>) dst(%dma_wait3A_41 : memref<10112x128xf32, #tpu.memory_space<vmem_shared>>)
        tpu.yield
      }) : () -> ()
      %scan3A_31 = arith.constant 0 : i32
      scf.yield %scan3A_31 : i32
    }
    %scan3A_27 = arith.constant 79 : i32
    %barrier3A_28 = arith.constant 0 : index
    tpu.barrier barrier_id(%barrier3A_28)
    "tpu.region"() ({
      %run_scoped3A = tpu.sem_alloc : memref<!tpu.dma_semaphore, #tpu.memory_space<semaphore_mem>>
      %dma_start3A = arith.constant 0 : i32
      %dma_start3A_29 = tpu.memref_slice %arg5[%arg0, %mul3A_2, %dma_start3A] : memref<2x10112x128xf32, #tpu.memory_space<hbm>> -> memref<1x632x128xf32, #tpu.memory_space<hbm>>
      %dma_start3A_30 = tpu.memref_squeeze %dma_start3A_29 : memref<1x632x128xf32, #tpu.memory_space<hbm>> -> memref<632x128xf32, #tpu.memory_space<hbm>>
      %dma_start3A_31 = arith.constant 0 : i32
      %dma_start3A_32 = tpu.memref_slice %arg9[%mul3A_2, %dma_start3A_31] : memref<10112x128xf32, #tpu.memory_space<vmem_shared>> -> memref<632x128xf32, #tpu.memory_space<vmem_shared>>
      tpu.enqueue_dma source(%dma_start3A_32 : memref<632x128xf32, #tpu.memory_space<vmem_shared>>) target(%dma_start3A_30 : memref<632x128xf32, #tpu.memory_space<hbm>>) target_semaphore(%run_scoped3A : memref<!tpu.dma_semaphore, #tpu.memory_space<semaphore_mem>>)
      %dma_wait3A = arith.constant 0 : i32
      %dma_wait3A_33 = tpu.memref_slice %arg5[%arg0, %mul3A_2, %dma_wait3A] : memref<2x10112x128xf32, #tpu.memory_space<hbm>> -> memref<1x632x128xf32, #tpu.memory_space<hbm>>
      %dma_wait3A_34 = tpu.memref_squeeze %dma_wait3A_33 : memref<1x632x128xf32, #tpu.memory_space<hbm>> -> memref<632x128xf32, #tpu.memory_space<hbm>>
      %dma_wait3A_35 = arith.constant 0 : i32
      %dma_wait3A_36 = tpu.memref_slice %arg9[%mul3A_2, %dma_wait3A_35] : memref<10112x128xf32, #tpu.memory_space<vmem_shared>> -> memref<632x128xf32, #tpu.memory_space<vmem_shared>>
      tpu.wait_dma2 semaphore(%run_scoped3A : memref<!tpu.dma_semaphore, #tpu.memory_space<semaphore_mem>>) src(%dma_wait3A_36 : memref<632x128xf32, #tpu.memory_space<vmem_shared>>) dst(%dma_wait3A_34 : memref<632x128xf32, #tpu.memory_space<hbm>>)
      tpu.yield
    }) : () -> ()
    return
  }
}

#map = affine_map<(d0, d1) -> (0, 0, 0)>
module attributes {stable_mosaic.version = 14 : i64} {
  func.func @_deg_call(%arg0: i32, %arg1: i32, %arg2: memref<32x79x128xi32, #tpu.memory_space<hbm>>, %arg3: memref<2x10112x128xf32, #tpu.memory_space<hbm>>, %arg4: memref<79x128xi32, #tpu.memory_space<vmem>>, %arg5: memref<128x128xf32, #tpu.memory_space<vmem>>, %arg6: memref<10112x128xf32, #tpu.memory_space<vmem_shared>>) attributes {dimension_semantics = [#tpu.dimension_semantics<core_parallel>, #tpu.dimension_semantics<subcore_parallel>], iteration_bounds = array<i64: 2, 16>, scalar_prefetch = 0 : i64, scratch_operands = 3 : i64, tpu.core_type = #tpu.core_type<sc_vector_subcore>, window_params = [{transform_indices = #map}, {transform_indices = #map}]} {
    %mul3A = arith.constant 2 : i32
    %mul3A_0 = arith.muli %arg1, %mul3A : i32
    %add3A = arith.addi %mul3A_0, %arg0 : i32
    %mul3A_1 = arith.constant 632 : i32
    %mul3A_2 = arith.muli %arg1, %mul3A_1 : i32
    %scan3A = arith.constant 0 : i32
    %scan3A_3 = arith.constant 0 : i32
    %scan3A_4 = arith.constant 1024 : i32
    %scan3A_5 = arith.addi %scan3A_3, %scan3A_4 : i32
    %scan3A_6 = arith.constant 1 : i32
    %scan3A_7 = scf.for %scan3A_36 = %scan3A_3 to %scan3A_5 step %scan3A_6 iter_args(%scan3A_37 = %scan3A) -> (i32)  : i32 {
      %broadcast_in_dim3A = arith.constant 0.000000e+00 : f32
      %broadcast_in_dim3A_38 = vector.broadcast %broadcast_in_dim3A : f32 to vector<16xf32>
      %jit3A = arith.constant 8 : i32
      %div3A = arith.divsi %scan3A_36, %jit3A : i32
      %sign3A = arith.constant 0 : i32
      %sign3A_39 = arith.cmpi sgt, %scan3A_36, %sign3A : i32
      %sign3A_40 = arith.extui %sign3A_39 : i1 to i32
      %sign3A_41 = arith.constant 0 : i32
      %sign3A_42 = arith.cmpi slt, %scan3A_36, %sign3A_41 : i32
      %sign3A_43 = arith.extui %sign3A_42 : i1 to i32
      %sign3A_44 = arith.subi %sign3A_40, %sign3A_43 : i32
      %sign3A_45 = arith.constant 0 : i32
      %sign3A_46 = arith.cmpi sgt, %jit3A, %sign3A_45 : i32
      %sign3A_47 = arith.extui %sign3A_46 : i1 to i32
      %sign3A_48 = arith.constant 0 : i32
      %sign3A_49 = arith.cmpi slt, %jit3A, %sign3A_48 : i32
      %sign3A_50 = arith.extui %sign3A_49 : i1 to i32
      %sign3A_51 = arith.subi %sign3A_47, %sign3A_50 : i32
      %ne3A = arith.cmpi ne, %sign3A_44, %sign3A_51 : i32
      %rem3A = arith.remsi %scan3A_36, %jit3A : i32
      %ne3A_52 = arith.constant 0 : i32
      %ne3A_53 = arith.cmpi ne, %rem3A, %ne3A_52 : i32
      %and3A = arith.andi %ne3A, %ne3A_53 : i1
      %sub3A = arith.constant 1 : i32
      %sub3A_54 = arith.subi %div3A, %sub3A : i32
      %select_n3A = arith.select %and3A, %sub3A_54, %div3A : i32
      %jit3A_55 = arith.constant 8 : i32
      %eq3A = arith.constant 0 : i32
      %eq3A_56 = arith.cmpi eq, %jit3A_55, %eq3A : i32
      %jit3A_57 = arith.constant 1 : i32
      %select_n3A_58 = arith.select %eq3A_56, %jit3A_57, %jit3A_55 : i32
      %rem3A_59 = arith.remsi %scan3A_36, %select_n3A_58 : i32
      %ne3A_60 = arith.constant 0 : i32
      %ne3A_61 = arith.cmpi ne, %rem3A_59, %ne3A_60 : i32
      %lt3A = arith.constant 0 : i32
      %lt3A_62 = arith.cmpi slt, %rem3A_59, %lt3A : i32
      %lt3A_63 = arith.constant 0 : i32
      %lt3A_64 = arith.cmpi slt, %select_n3A_58, %lt3A_63 : i32
      %ne3A_65 = arith.xori %lt3A_62, %lt3A_64 : i1
      %and3A_66 = arith.andi %ne3A_65, %ne3A_61 : i1
      %add3A_67 = arith.addi %rem3A_59, %select_n3A_58 : i32
      %select_n3A_68 = arith.select %and3A_66, %add3A_67, %rem3A_59 : i32
      %mul3A_69 = arith.constant 16 : i32
      %mul3A_70 = arith.muli %select_n3A_68, %mul3A_69 : i32
      %swap3A = arith.index_cast %select_n3A : i32 to index
      %swap3A_71 = arith.index_cast %mul3A_70 : i32 to index
      %swap3A_72 = tpu.vector_load %arg5[%swap3A, %swap3A_71] {strides = array<i32>} : memref<128x128xf32, #tpu.memory_space<vmem>>, vector<1x16xf32>,
      %swap3A_73 = vector.shape_cast %swap3A_72 : vector<1x16xf32> to vector<16xf32>
      %swap3A_74 = vector.shape_cast %broadcast_in_dim3A_38 : vector<16xf32> to vector<1x16xf32>
      tpu.vector_store %arg5[%swap3A, %swap3A_71], %swap3A_74 {strides = array<i32>} : memref<128x128xf32, #tpu.memory_space<vmem>>, vector<1x16xf32>,
      %scan3A_75 = arith.constant 0 : i32
      scf.yield %scan3A_75 : i32
    }
    %scan3A_8 = arith.constant 1024 : i32
    %mul3A_9 = arith.constant 632 : i32
    %mul3A_10 = arith.muli %arg1, %mul3A_9 : i32
    %add3A_11 = arith.constant 0 : i32
    %add3A_12 = arith.addi %mul3A_10, %add3A_11 : i32
    "tpu.region"() ({
      %run_scoped3A = tpu.sem_alloc : memref<!tpu.dma_semaphore, #tpu.memory_space<semaphore_mem>>
      %dma_start3A = arith.constant 0 : i32
      %dma_start3A_36 = tpu.memref_slice %arg6[%add3A_12, %dma_start3A] : memref<10112x128xf32, #tpu.memory_space<vmem_shared>> -> memref<128x128xf32, #tpu.memory_space<vmem_shared>>
      %dma_start3A_37 = arith.constant 0 : i32
      %dma_start3A_38 = tpu.memref_slice %arg6[%add3A_12, %dma_start3A_37] : memref<10112x128xf32, #tpu.memory_space<vmem_shared>> -> memref<128x128xf32, #tpu.memory_space<vmem_shared>>
      tpu.enqueue_dma source(%arg5 : memref<128x128xf32, #tpu.memory_space<vmem>>) target(%dma_start3A_38 : memref<128x128xf32, #tpu.memory_space<vmem_shared>>) target_semaphore(%run_scoped3A : memref<!tpu.dma_semaphore, #tpu.memory_space<semaphore_mem>>)
      %dma_wait3A = arith.constant 0 : i32
      %dma_wait3A_39 = tpu.memref_slice %arg6[%add3A_12, %dma_wait3A] : memref<10112x128xf32, #tpu.memory_space<vmem_shared>> -> memref<128x128xf32, #tpu.memory_space<vmem_shared>>
      %dma_wait3A_40 = arith.constant 0 : i32
      %dma_wait3A_41 = tpu.memref_slice %arg6[%add3A_12, %dma_wait3A_40] : memref<10112x128xf32, #tpu.memory_space<vmem_shared>> -> memref<128x128xf32, #tpu.memory_space<vmem_shared>>
      tpu.wait_dma2 semaphore(%run_scoped3A : memref<!tpu.dma_semaphore, #tpu.memory_space<semaphore_mem>>) src(%arg5 : memref<128x128xf32, #tpu.memory_space<vmem>>) dst(%dma_wait3A_41 : memref<128x128xf32, #tpu.memory_space<vmem_shared>>)
      tpu.yield
    }) : () -> ()
    %add3A_13 = arith.constant 128 : i32
    %add3A_14 = arith.addi %mul3A_10, %add3A_13 : i32
    "tpu.region"() ({
      %run_scoped3A = tpu.sem_alloc : memref<!tpu.dma_semaphore, #tpu.memory_space<semaphore_mem>>
      %dma_start3A = arith.constant 0 : i32
      %dma_start3A_36 = tpu.memref_slice %arg6[%add3A_14, %dma_start3A] : memref<10112x128xf32, #tpu.memory_space<vmem_shared>> -> memref<128x128xf32, #tpu.memory_space<vmem_shared>>
      %dma_start3A_37 = arith.constant 0 : i32
      %dma_start3A_38 = tpu.memref_slice %arg6[%add3A_14, %dma_start3A_37] : memref<10112x128xf32, #tpu.memory_space<vmem_shared>> -> memref<128x128xf32, #tpu.memory_space<vmem_shared>>
      tpu.enqueue_dma source(%arg5 : memref<128x128xf32, #tpu.memory_space<vmem>>) target(%dma_start3A_38 : memref<128x128xf32, #tpu.memory_space<vmem_shared>>) target_semaphore(%run_scoped3A : memref<!tpu.dma_semaphore, #tpu.memory_space<semaphore_mem>>)
      %dma_wait3A = arith.constant 0 : i32
      %dma_wait3A_39 = tpu.memref_slice %arg6[%add3A_14, %dma_wait3A] : memref<10112x128xf32, #tpu.memory_space<vmem_shared>> -> memref<128x128xf32, #tpu.memory_space<vmem_shared>>
      %dma_wait3A_40 = arith.constant 0 : i32
      %dma_wait3A_41 = tpu.memref_slice %arg6[%add3A_14, %dma_wait3A_40] : memref<10112x128xf32, #tpu.memory_space<vmem_shared>> -> memref<128x128xf32, #tpu.memory_space<vmem_shared>>
      tpu.wait_dma2 semaphore(%run_scoped3A : memref<!tpu.dma_semaphore, #tpu.memory_space<semaphore_mem>>) src(%arg5 : memref<128x128xf32, #tpu.memory_space<vmem>>) dst(%dma_wait3A_41 : memref<128x128xf32, #tpu.memory_space<vmem_shared>>)
      tpu.yield
    }) : () -> ()
    %add3A_15 = arith.constant 256 : i32
    %add3A_16 = arith.addi %mul3A_10, %add3A_15 : i32
    "tpu.region"() ({
      %run_scoped3A = tpu.sem_alloc : memref<!tpu.dma_semaphore, #tpu.memory_space<semaphore_mem>>
      %dma_start3A = arith.constant 0 : i32
      %dma_start3A_36 = tpu.memref_slice %arg6[%add3A_16, %dma_start3A] : memref<10112x128xf32, #tpu.memory_space<vmem_shared>> -> memref<128x128xf32, #tpu.memory_space<vmem_shared>>
      %dma_start3A_37 = arith.constant 0 : i32
      %dma_start3A_38 = tpu.memref_slice %arg6[%add3A_16, %dma_start3A_37] : memref<10112x128xf32, #tpu.memory_space<vmem_shared>> -> memref<128x128xf32, #tpu.memory_space<vmem_shared>>
      tpu.enqueue_dma source(%arg5 : memref<128x128xf32, #tpu.memory_space<vmem>>) target(%dma_start3A_38 : memref<128x128xf32, #tpu.memory_space<vmem_shared>>) target_semaphore(%run_scoped3A : memref<!tpu.dma_semaphore, #tpu.memory_space<semaphore_mem>>)
      %dma_wait3A = arith.constant 0 : i32
      %dma_wait3A_39 = tpu.memref_slice %arg6[%add3A_16, %dma_wait3A] : memref<10112x128xf32, #tpu.memory_space<vmem_shared>> -> memref<128x128xf32, #tpu.memory_space<vmem_shared>>
      %dma_wait3A_40 = arith.constant 0 : i32
      %dma_wait3A_41 = tpu.memref_slice %arg6[%add3A_16, %dma_wait3A_40] : memref<10112x128xf32, #tpu.memory_space<vmem_shared>> -> memref<128x128xf32, #tpu.memory_space<vmem_shared>>
      tpu.wait_dma2 semaphore(%run_scoped3A : memref<!tpu.dma_semaphore, #tpu.memory_space<semaphore_mem>>) src(%arg5 : memref<128x128xf32, #tpu.memory_space<vmem>>) dst(%dma_wait3A_41 : memref<128x128xf32, #tpu.memory_space<vmem_shared>>)
      tpu.yield
    }) : () -> ()
    %add3A_17 = arith.constant 384 : i32
    %add3A_18 = arith.addi %mul3A_10, %add3A_17 : i32
    "tpu.region"() ({
      %run_scoped3A = tpu.sem_alloc : memref<!tpu.dma_semaphore, #tpu.memory_space<semaphore_mem>>
      %dma_start3A = arith.constant 0 : i32
      %dma_start3A_36 = tpu.memref_slice %arg6[%add3A_18, %dma_start3A] : memref<10112x128xf32, #tpu.memory_space<vmem_shared>> -> memref<128x128xf32, #tpu.memory_space<vmem_shared>>
      %dma_start3A_37 = arith.constant 0 : i32
      %dma_start3A_38 = tpu.memref_slice %arg6[%add3A_18, %dma_start3A_37] : memref<10112x128xf32, #tpu.memory_space<vmem_shared>> -> memref<128x128xf32, #tpu.memory_space<vmem_shared>>
      tpu.enqueue_dma source(%arg5 : memref<128x128xf32, #tpu.memory_space<vmem>>) target(%dma_start3A_38 : memref<128x128xf32, #tpu.memory_space<vmem_shared>>) target_semaphore(%run_scoped3A : memref<!tpu.dma_semaphore, #tpu.memory_space<semaphore_mem>>)
      %dma_wait3A = arith.constant 0 : i32
      %dma_wait3A_39 = tpu.memref_slice %arg6[%add3A_18, %dma_wait3A] : memref<10112x128xf32, #tpu.memory_space<vmem_shared>> -> memref<128x128xf32, #tpu.memory_space<vmem_shared>>
      %dma_wait3A_40 = arith.constant 0 : i32
      %dma_wait3A_41 = tpu.memref_slice %arg6[%add3A_18, %dma_wait3A_40] : memref<10112x128xf32, #tpu.memory_space<vmem_shared>> -> memref<128x128xf32, #tpu.memory_space<vmem_shared>>
      tpu.wait_dma2 semaphore(%run_scoped3A : memref<!tpu.dma_semaphore, #tpu.memory_space<semaphore_mem>>) src(%arg5 : memref<128x128xf32, #tpu.memory_space<vmem>>) dst(%dma_wait3A_41 : memref<128x128xf32, #tpu.memory_space<vmem_shared>>)
      tpu.yield
    }) : () -> ()
    %add3A_19 = arith.constant 512 : i32
    %add3A_20 = arith.addi %mul3A_10, %add3A_19 : i32
    "tpu.region"() ({
      %run_scoped3A = tpu.sem_alloc : memref<!tpu.dma_semaphore, #tpu.memory_space<semaphore_mem>>
      %dma_start3A = arith.constant 0 : i32
      %dma_start3A_36 = arith.constant 0 : i32
      %dma_start3A_37 = tpu.memref_slice %arg5[%dma_start3A, %dma_start3A_36] : memref<128x128xf32, #tpu.memory_space<vmem>> -> memref<120x128xf32, #tpu.memory_space<vmem>>
      %dma_start3A_38 = arith.constant 0 : i32
      %dma_start3A_39 = tpu.memref_slice %arg6[%add3A_20, %dma_start3A_38] : memref<10112x128xf32, #tpu.memory_space<vmem_shared>> -> memref<120x128xf32, #tpu.memory_space<vmem_shared>>
      %dma_start3A_40 = arith.constant 0 : i32
      %dma_start3A_41 = tpu.memref_slice %arg6[%add3A_20, %dma_start3A_40] : memref<10112x128xf32, #tpu.memory_space<vmem_shared>> -> memref<120x128xf32, #tpu.memory_space<vmem_shared>>
      %dma_start3A_42 = arith.constant 0 : i32
      %dma_start3A_43 = arith.constant 0 : i32
      %dma_start3A_44 = tpu.memref_slice %arg5[%dma_start3A_42, %dma_start3A_43] : memref<128x128xf32, #tpu.memory_space<vmem>> -> memref<120x128xf32, #tpu.memory_space<vmem>>
      tpu.enqueue_dma source(%dma_start3A_44 : memref<120x128xf32, #tpu.memory_space<vmem>>) target(%dma_start3A_41 : memref<120x128xf32, #tpu.memory_space<vmem_shared>>) target_semaphore(%run_scoped3A : memref<!tpu.dma_semaphore, #tpu.memory_space<semaphore_mem>>)
      %dma_wait3A = arith.constant 0 : i32
      %dma_wait3A_45 = arith.constant 0 : i32
      %dma_wait3A_46 = tpu.memref_slice %arg5[%dma_wait3A, %dma_wait3A_45] : memref<128x128xf32, #tpu.memory_space<vmem>> -> memref<120x128xf32, #tpu.memory_space<vmem>>
      %dma_wait3A_47 = arith.constant 0 : i32
      %dma_wait3A_48 = tpu.memref_slice %arg6[%add3A_20, %dma_wait3A_47] : memref<10112x128xf32, #tpu.memory_space<vmem_shared>> -> memref<120x128xf32, #tpu.memory_space<vmem_shared>>
      %dma_wait3A_49 = arith.constant 0 : i32
      %dma_wait3A_50 = tpu.memref_slice %arg6[%add3A_20, %dma_wait3A_49] : memref<10112x128xf32, #tpu.memory_space<vmem_shared>> -> memref<120x128xf32, #tpu.memory_space<vmem_shared>>
      %dma_wait3A_51 = arith.constant 0 : i32
      %dma_wait3A_52 = arith.constant 0 : i32
      %dma_wait3A_53 = tpu.memref_slice %arg5[%dma_wait3A_51, %dma_wait3A_52] : memref<128x128xf32, #tpu.memory_space<vmem>> -> memref<120x128xf32, #tpu.memory_space<vmem>>
      tpu.wait_dma2 semaphore(%run_scoped3A : memref<!tpu.dma_semaphore, #tpu.memory_space<semaphore_mem>>) src(%dma_wait3A_53 : memref<120x128xf32, #tpu.memory_space<vmem>>) dst(%dma_wait3A_50 : memref<120x128xf32, #tpu.memory_space<vmem_shared>>)
      tpu.yield
    }) : () -> ()
    %scan3A_21 = arith.constant 0 : i32
    %scan3A_22 = arith.constant 0 : i32
    %scan3A_23 = arith.constant 1024 : i32
    %scan3A_24 = arith.addi %scan3A_22, %scan3A_23 : i32
    %scan3A_25 = arith.constant 1 : i32
    %scan3A_26 = scf.for %scan3A_36 = %scan3A_22 to %scan3A_24 step %scan3A_25 iter_args(%scan3A_37 = %scan3A_21) -> (i32)  : i32 {
      %broadcast_in_dim3A = arith.constant 1.000000e+00 : f32
      %broadcast_in_dim3A_38 = vector.broadcast %broadcast_in_dim3A : f32 to vector<16xf32>
      %jit3A = arith.constant 8 : i32
      %div3A = arith.divsi %scan3A_36, %jit3A : i32
      %sign3A = arith.constant 0 : i32
      %sign3A_39 = arith.cmpi sgt, %scan3A_36, %sign3A : i32
      %sign3A_40 = arith.extui %sign3A_39 : i1 to i32
      %sign3A_41 = arith.constant 0 : i32
      %sign3A_42 = arith.cmpi slt, %scan3A_36, %sign3A_41 : i32
      %sign3A_43 = arith.extui %sign3A_42 : i1 to i32
      %sign3A_44 = arith.subi %sign3A_40, %sign3A_43 : i32
      %sign3A_45 = arith.constant 0 : i32
      %sign3A_46 = arith.cmpi sgt, %jit3A, %sign3A_45 : i32
      %sign3A_47 = arith.extui %sign3A_46 : i1 to i32
      %sign3A_48 = arith.constant 0 : i32
      %sign3A_49 = arith.cmpi slt, %jit3A, %sign3A_48 : i32
      %sign3A_50 = arith.extui %sign3A_49 : i1 to i32
      %sign3A_51 = arith.subi %sign3A_47, %sign3A_50 : i32
      %ne3A = arith.cmpi ne, %sign3A_44, %sign3A_51 : i32
      %rem3A = arith.remsi %scan3A_36, %jit3A : i32
      %ne3A_52 = arith.constant 0 : i32
      %ne3A_53 = arith.cmpi ne, %rem3A, %ne3A_52 : i32
      %and3A = arith.andi %ne3A, %ne3A_53 : i1
      %sub3A = arith.constant 1 : i32
      %sub3A_54 = arith.subi %div3A, %sub3A : i32
      %select_n3A = arith.select %and3A, %sub3A_54, %div3A : i32
      %jit3A_55 = arith.constant 8 : i32
      %eq3A = arith.constant 0 : i32
      %eq3A_56 = arith.cmpi eq, %jit3A_55, %eq3A : i32
      %jit3A_57 = arith.constant 1 : i32
      %select_n3A_58 = arith.select %eq3A_56, %jit3A_57, %jit3A_55 : i32
      %rem3A_59 = arith.remsi %scan3A_36, %select_n3A_58 : i32
      %ne3A_60 = arith.constant 0 : i32
      %ne3A_61 = arith.cmpi ne, %rem3A_59, %ne3A_60 : i32
      %lt3A = arith.constant 0 : i32
      %lt3A_62 = arith.cmpi slt, %rem3A_59, %lt3A : i32
      %lt3A_63 = arith.constant 0 : i32
      %lt3A_64 = arith.cmpi slt, %select_n3A_58, %lt3A_63 : i32
      %ne3A_65 = arith.xori %lt3A_62, %lt3A_64 : i1
      %and3A_66 = arith.andi %ne3A_65, %ne3A_61 : i1
      %add3A_67 = arith.addi %rem3A_59, %select_n3A_58 : i32
      %select_n3A_68 = arith.select %and3A_66, %add3A_67, %rem3A_59 : i32
      %mul3A_69 = arith.constant 16 : i32
      %mul3A_70 = arith.muli %select_n3A_68, %mul3A_69 : i32
      %swap3A = arith.index_cast %select_n3A : i32 to index
      %swap3A_71 = arith.index_cast %mul3A_70 : i32 to index
      %swap3A_72 = tpu.vector_load %arg5[%swap3A, %swap3A_71] {strides = array<i32>} : memref<128x128xf32, #tpu.memory_space<vmem>>, vector<1x16xf32>,
      %swap3A_73 = vector.shape_cast %swap3A_72 : vector<1x16xf32> to vector<16xf32>
      %swap3A_74 = vector.shape_cast %broadcast_in_dim3A_38 : vector<16xf32> to vector<1x16xf32>
      tpu.vector_store %arg5[%swap3A, %swap3A_71], %swap3A_74 {strides = array<i32>} : memref<128x128xf32, #tpu.memory_space<vmem>>, vector<1x16xf32>,
      %scan3A_75 = arith.constant 0 : i32
      scf.yield %scan3A_75 : i32
    }
    %scan3A_27 = arith.constant 1024 : i32
    "tpu.region"() ({
      %run_scoped3A = tpu.sem_alloc : memref<!tpu.dma_semaphore, #tpu.memory_space<semaphore_mem>>
      %dma_start3A = arith.constant 0 : i32
      %dma_start3A_36 = arith.constant 0 : i32
      %dma_start3A_37 = tpu.memref_slice %arg2[%add3A, %dma_start3A, %dma_start3A_36] : memref<32x79x128xi32, #tpu.memory_space<hbm>> -> memref<1x79x128xi32, #tpu.memory_space<hbm>>
      %dma_start3A_38 = tpu.memref_squeeze %dma_start3A_37 : memref<1x79x128xi32, #tpu.memory_space<hbm>> -> memref<79x128xi32, #tpu.memory_space<hbm>>
      %dma_start3A_39 = arith.constant 0 : i32
      %dma_start3A_40 = arith.constant 0 : i32
      %dma_start3A_41 = tpu.memref_slice %arg2[%add3A, %dma_start3A_39, %dma_start3A_40] : memref<32x79x128xi32, #tpu.memory_space<hbm>> -> memref<1x79x128xi32, #tpu.memory_space<hbm>>
      %dma_start3A_42 = tpu.memref_squeeze %dma_start3A_41 : memref<1x79x128xi32, #tpu.memory_space<hbm>> -> memref<79x128xi32, #tpu.memory_space<hbm>>
      tpu.enqueue_dma source(%dma_start3A_42 : memref<79x128xi32, #tpu.memory_space<hbm>>) target(%arg4 : memref<79x128xi32, #tpu.memory_space<vmem>>) target_semaphore(%run_scoped3A : memref<!tpu.dma_semaphore, #tpu.memory_space<semaphore_mem>>)
      %dma_wait3A = arith.constant 0 : i32
      %dma_wait3A_43 = arith.constant 0 : i32
      %dma_wait3A_44 = tpu.memref_slice %arg2[%add3A, %dma_wait3A, %dma_wait3A_43] : memref<32x79x128xi32, #tpu.memory_space<hbm>> -> memref<1x79x128xi32, #tpu.memory_space<hbm>>
      %dma_wait3A_45 = tpu.memref_squeeze %dma_wait3A_44 : memref<1x79x128xi32, #tpu.memory_space<hbm>> -> memref<79x128xi32, #tpu.memory_space<hbm>>
      %dma_wait3A_46 = arith.constant 0 : i32
      %dma_wait3A_47 = arith.constant 0 : i32
      %dma_wait3A_48 = tpu.memref_slice %arg2[%add3A, %dma_wait3A_46, %dma_wait3A_47] : memref<32x79x128xi32, #tpu.memory_space<hbm>> -> memref<1x79x128xi32, #tpu.memory_space<hbm>>
      %dma_wait3A_49 = tpu.memref_squeeze %dma_wait3A_48 : memref<1x79x128xi32, #tpu.memory_space<hbm>> -> memref<79x128xi32, #tpu.memory_space<hbm>>
      tpu.wait_dma2 semaphore(%run_scoped3A : memref<!tpu.dma_semaphore, #tpu.memory_space<semaphore_mem>>) src(%dma_wait3A_49 : memref<79x128xi32, #tpu.memory_space<hbm>>) dst(%arg4 : memref<79x128xi32, #tpu.memory_space<vmem>>)
      tpu.yield
    }) : () -> ()
    %barrier3A = arith.constant 0 : index
    tpu.barrier barrier_id(%barrier3A)
    %scan3A_28 = arith.constant 0 : i32
    %scan3A_29 = arith.constant 0 : i32
    %scan3A_30 = arith.constant 79 : i32
    %scan3A_31 = arith.addi %scan3A_29, %scan3A_30 : i32
    %scan3A_32 = arith.constant 1 : i32
    %scan3A_33 = scf.for %scan3A_36 = %scan3A_29 to %scan3A_31 step %scan3A_32 iter_args(%scan3A_37 = %scan3A_28) -> (i32)  : i32 {
      "tpu.region"() ({
        %run_scoped3A = tpu.sem_alloc : memref<!tpu.dma_semaphore, #tpu.memory_space<semaphore_mem>>
        %dma_start3A = arith.constant 0 : i32
        %dma_start3A_39 = tpu.memref_slice %arg4[%scan3A_36, %dma_start3A] : memref<79x128xi32, #tpu.memory_space<vmem>> -> memref<1x128xi32, #tpu.memory_space<vmem>>
        %dma_start3A_40 = tpu.memref_squeeze %dma_start3A_39 : memref<1x128xi32, #tpu.memory_space<vmem>> -> memref<128xi32, #tpu.memory_space<vmem>>
        %dma_start3A_41 = arith.constant 0 : i32
        %dma_start3A_42 = arith.constant 0 : i32
        %dma_start3A_43 = tpu.memref_slice %arg6[%dma_start3A_41, %dma_start3A_42] : memref<10112x128xf32, #tpu.memory_space<vmem_shared>> -> memref<10112x128xf32, #tpu.memory_space<vmem_shared>>
        tpu.enqueue_indirect_dma source(%arg5 : memref<128x128xf32, #tpu.memory_space<vmem>>) target(%dma_start3A_43 : memref<10112x128xf32, #tpu.memory_space<vmem_shared>>) offsets(%dma_start3A_40 : memref<128xi32, #tpu.memory_space<vmem>>) semaphore(%run_scoped3A : memref<!tpu.dma_semaphore, #tpu.memory_space<semaphore_mem>>) {add = true}
        %dma_wait3A = arith.constant 0 : i32
        %dma_wait3A_44 = tpu.memref_slice %arg4[%scan3A_36, %dma_wait3A] : memref<79x128xi32, #tpu.memory_space<vmem>> -> memref<1x128xi32, #tpu.memory_space<vmem>>
        %dma_wait3A_45 = tpu.memref_squeeze %dma_wait3A_44 : memref<1x128xi32, #tpu.memory_space<vmem>> -> memref<128xi32, #tpu.memory_space<vmem>>
        %dma_wait3A_46 = arith.constant 0 : i32
        %dma_wait3A_47 = arith.constant 0 : i32
        %dma_wait3A_48 = tpu.memref_slice %arg6[%dma_wait3A_46, %dma_wait3A_47] : memref<10112x128xf32, #tpu.memory_space<vmem_shared>> -> memref<10112x128xf32, #tpu.memory_space<vmem_shared>>
        tpu.wait_indirect_dma semaphore(%run_scoped3A : memref<!tpu.dma_semaphore, #tpu.memory_space<semaphore_mem>>) src(%arg5 : memref<128x128xf32, #tpu.memory_space<vmem>>) dst(%dma_wait3A_48 : memref<10112x128xf32, #tpu.memory_space<vmem_shared>>)
        tpu.yield
      }) : () -> ()
      %scan3A_38 = arith.constant 0 : i32
      scf.yield %scan3A_38 : i32
    }
    %scan3A_34 = arith.constant 79 : i32
    %barrier3A_35 = arith.constant 0 : index
    tpu.barrier barrier_id(%barrier3A_35)
    "tpu.region"() ({
      %run_scoped3A = tpu.sem_alloc : memref<!tpu.dma_semaphore, #tpu.memory_space<semaphore_mem>>
      %dma_start3A = arith.constant 0 : i32
      %dma_start3A_36 = tpu.memref_slice %arg3[%arg0, %mul3A_2, %dma_start3A] : memref<2x10112x128xf32, #tpu.memory_space<hbm>> -> memref<1x632x128xf32, #tpu.memory_space<hbm>>
      %dma_start3A_37 = tpu.memref_squeeze %dma_start3A_36 : memref<1x632x128xf32, #tpu.memory_space<hbm>> -> memref<632x128xf32, #tpu.memory_space<hbm>>
      %dma_start3A_38 = arith.constant 0 : i32
      %dma_start3A_39 = tpu.memref_slice %arg6[%mul3A_2, %dma_start3A_38] : memref<10112x128xf32, #tpu.memory_space<vmem_shared>> -> memref<632x128xf32, #tpu.memory_space<vmem_shared>>
      tpu.enqueue_dma source(%dma_start3A_39 : memref<632x128xf32, #tpu.memory_space<vmem_shared>>) target(%dma_start3A_37 : memref<632x128xf32, #tpu.memory_space<hbm>>) target_semaphore(%run_scoped3A : memref<!tpu.dma_semaphore, #tpu.memory_space<semaphore_mem>>)
      %dma_wait3A = arith.constant 0 : i32
      %dma_wait3A_40 = tpu.memref_slice %arg3[%arg0, %mul3A_2, %dma_wait3A] : memref<2x10112x128xf32, #tpu.memory_space<hbm>> -> memref<1x632x128xf32, #tpu.memory_space<hbm>>
      %dma_wait3A_41 = tpu.memref_squeeze %dma_wait3A_40 : memref<1x632x128xf32, #tpu.memory_space<hbm>> -> memref<632x128xf32, #tpu.memory_space<hbm>>
      %dma_wait3A_42 = arith.constant 0 : i32
      %dma_wait3A_43 = tpu.memref_slice %arg6[%mul3A_2, %dma_wait3A_42] : memref<10112x128xf32, #tpu.memory_space<vmem_shared>> -> memref<632x128xf32, #tpu.memory_space<vmem_shared>>
      tpu.wait_dma2 semaphore(%run_scoped3A : memref<!tpu.dma_semaphore, #tpu.memory_space<semaphore_mem>>) src(%dma_wait3A_43 : memref<632x128xf32, #tpu.memory_space<vmem_shared>>) dst(%dma_wait3A_41 : memref<632x128xf32, #tpu.memory_space<hbm>>)
      tpu.yield
    }) : () -> ()
    return
  }
}

#map = affine_map<(d0, d1) -> (0, 0)>
#map1 = affine_map<(d0, d1) -> (0, 0, 0)>
module attributes {stable_mosaic.version = 14 : i64} {
  func.func @_spmm_call(%arg0: i32, %arg1: i32, %arg2: memref<10112x128xf32, #tpu.memory_space<hbm>>, %arg3: memref<32x79x128xi32, #tpu.memory_space<hbm>>, %arg4: memref<32x79x128xi32, #tpu.memory_space<hbm>>, %arg5: memref<2x10112x128xf32, #tpu.memory_space<hbm>>, %arg6: memref<79x128xi32, #tpu.memory_space<vmem>>, %arg7: memref<79x128xi32, #tpu.memory_space<vmem>>, %arg8: memref<128x128xf32, #tpu.memory_space<vmem>>, %arg9: memref<10112x128xf32, #tpu.memory_space<vmem_shared>>) attributes {dimension_semantics = [#tpu.dimension_semantics<core_parallel>, #tpu.dimension_semantics<subcore_parallel>], iteration_bounds = array<i64: 2, 16>, scalar_prefetch = 0 : i64, scratch_operands = 4 : i64, tpu.core_type = #tpu.core_type<sc_vector_subcore>, window_params = [{transform_indices = #map}, {transform_indices = #map1}, {transform_indices = #map1}, {transform_indices = #map1}]} {
    %mul3A = arith.constant 2 : i32
    %mul3A_0 = arith.muli %arg1, %mul3A : i32
    %add3A = arith.addi %mul3A_0, %arg0 : i32
    %mul3A_1 = arith.constant 632 : i32
    %mul3A_2 = arith.muli %arg1, %mul3A_1 : i32
    %scan3A = arith.constant 0 : i32
    %scan3A_3 = arith.constant 0 : i32
    %scan3A_4 = arith.constant 1024 : i32
    %scan3A_5 = arith.addi %scan3A_3, %scan3A_4 : i32
    %scan3A_6 = arith.constant 1 : i32
    %scan3A_7 = scf.for %scan3A_29 = %scan3A_3 to %scan3A_5 step %scan3A_6 iter_args(%scan3A_30 = %scan3A) -> (i32)  : i32 {
      %broadcast_in_dim3A = arith.constant 0.000000e+00 : f32
      %broadcast_in_dim3A_31 = vector.broadcast %broadcast_in_dim3A : f32 to vector<16xf32>
      %jit3A = arith.constant 8 : i32
      %div3A = arith.divsi %scan3A_29, %jit3A : i32
      %sign3A = arith.constant 0 : i32
      %sign3A_32 = arith.cmpi sgt, %scan3A_29, %sign3A : i32
      %sign3A_33 = arith.extui %sign3A_32 : i1 to i32
      %sign3A_34 = arith.constant 0 : i32
      %sign3A_35 = arith.cmpi slt, %scan3A_29, %sign3A_34 : i32
      %sign3A_36 = arith.extui %sign3A_35 : i1 to i32
      %sign3A_37 = arith.subi %sign3A_33, %sign3A_36 : i32
      %sign3A_38 = arith.constant 0 : i32
      %sign3A_39 = arith.cmpi sgt, %jit3A, %sign3A_38 : i32
      %sign3A_40 = arith.extui %sign3A_39 : i1 to i32
      %sign3A_41 = arith.constant 0 : i32
      %sign3A_42 = arith.cmpi slt, %jit3A, %sign3A_41 : i32
      %sign3A_43 = arith.extui %sign3A_42 : i1 to i32
      %sign3A_44 = arith.subi %sign3A_40, %sign3A_43 : i32
      %ne3A = arith.cmpi ne, %sign3A_37, %sign3A_44 : i32
      %rem3A = arith.remsi %scan3A_29, %jit3A : i32
      %ne3A_45 = arith.constant 0 : i32
      %ne3A_46 = arith.cmpi ne, %rem3A, %ne3A_45 : i32
      %and3A = arith.andi %ne3A, %ne3A_46 : i1
      %sub3A = arith.constant 1 : i32
      %sub3A_47 = arith.subi %div3A, %sub3A : i32
      %select_n3A = arith.select %and3A, %sub3A_47, %div3A : i32
      %jit3A_48 = arith.constant 8 : i32
      %eq3A = arith.constant 0 : i32
      %eq3A_49 = arith.cmpi eq, %jit3A_48, %eq3A : i32
      %jit3A_50 = arith.constant 1 : i32
      %select_n3A_51 = arith.select %eq3A_49, %jit3A_50, %jit3A_48 : i32
      %rem3A_52 = arith.remsi %scan3A_29, %select_n3A_51 : i32
      %ne3A_53 = arith.constant 0 : i32
      %ne3A_54 = arith.cmpi ne, %rem3A_52, %ne3A_53 : i32
      %lt3A = arith.constant 0 : i32
      %lt3A_55 = arith.cmpi slt, %rem3A_52, %lt3A : i32
      %lt3A_56 = arith.constant 0 : i32
      %lt3A_57 = arith.cmpi slt, %select_n3A_51, %lt3A_56 : i32
      %ne3A_58 = arith.xori %lt3A_55, %lt3A_57 : i1
      %and3A_59 = arith.andi %ne3A_58, %ne3A_54 : i1
      %add3A_60 = arith.addi %rem3A_52, %select_n3A_51 : i32
      %select_n3A_61 = arith.select %and3A_59, %add3A_60, %rem3A_52 : i32
      %mul3A_62 = arith.constant 16 : i32
      %mul3A_63 = arith.muli %select_n3A_61, %mul3A_62 : i32
      %swap3A = arith.index_cast %select_n3A : i32 to index
      %swap3A_64 = arith.index_cast %mul3A_63 : i32 to index
      %swap3A_65 = tpu.vector_load %arg8[%swap3A, %swap3A_64] {strides = array<i32>} : memref<128x128xf32, #tpu.memory_space<vmem>>, vector<1x16xf32>,
      %swap3A_66 = vector.shape_cast %swap3A_65 : vector<1x16xf32> to vector<16xf32>
      %swap3A_67 = vector.shape_cast %broadcast_in_dim3A_31 : vector<16xf32> to vector<1x16xf32>
      tpu.vector_store %arg8[%swap3A, %swap3A_64], %swap3A_67 {strides = array<i32>} : memref<128x128xf32, #tpu.memory_space<vmem>>, vector<1x16xf32>,
      %scan3A_68 = arith.constant 0 : i32
      scf.yield %scan3A_68 : i32
    }
    %scan3A_8 = arith.constant 1024 : i32
    %mul3A_9 = arith.constant 632 : i32
    %mul3A_10 = arith.muli %arg1, %mul3A_9 : i32
    %add3A_11 = arith.constant 0 : i32
    %add3A_12 = arith.addi %mul3A_10, %add3A_11 : i32
    "tpu.region"() ({
      %run_scoped3A = tpu.sem_alloc : memref<!tpu.dma_semaphore, #tpu.memory_space<semaphore_mem>>
      %dma_start3A = arith.constant 0 : i32
      %dma_start3A_29 = tpu.memref_slice %arg9[%add3A_12, %dma_start3A] : memref<10112x128xf32, #tpu.memory_space<vmem_shared>> -> memref<128x128xf32, #tpu.memory_space<vmem_shared>>
      %dma_start3A_30 = arith.constant 0 : i32
      %dma_start3A_31 = tpu.memref_slice %arg9[%add3A_12, %dma_start3A_30] : memref<10112x128xf32, #tpu.memory_space<vmem_shared>> -> memref<128x128xf32, #tpu.memory_space<vmem_shared>>
      tpu.enqueue_dma source(%arg8 : memref<128x128xf32, #tpu.memory_space<vmem>>) target(%dma_start3A_31 : memref<128x128xf32, #tpu.memory_space<vmem_shared>>) target_semaphore(%run_scoped3A : memref<!tpu.dma_semaphore, #tpu.memory_space<semaphore_mem>>)
      %dma_wait3A = arith.constant 0 : i32
      %dma_wait3A_32 = tpu.memref_slice %arg9[%add3A_12, %dma_wait3A] : memref<10112x128xf32, #tpu.memory_space<vmem_shared>> -> memref<128x128xf32, #tpu.memory_space<vmem_shared>>
      %dma_wait3A_33 = arith.constant 0 : i32
      %dma_wait3A_34 = tpu.memref_slice %arg9[%add3A_12, %dma_wait3A_33] : memref<10112x128xf32, #tpu.memory_space<vmem_shared>> -> memref<128x128xf32, #tpu.memory_space<vmem_shared>>
      tpu.wait_dma2 semaphore(%run_scoped3A : memref<!tpu.dma_semaphore, #tpu.memory_space<semaphore_mem>>) src(%arg8 : memref<128x128xf32, #tpu.memory_space<vmem>>) dst(%dma_wait3A_34 : memref<128x128xf32, #tpu.memory_space<vmem_shared>>)
      tpu.yield
    }) : () -> ()
    %add3A_13 = arith.constant 128 : i32
    %add3A_14 = arith.addi %mul3A_10, %add3A_13 : i32
    "tpu.region"() ({
      %run_scoped3A = tpu.sem_alloc : memref<!tpu.dma_semaphore, #tpu.memory_space<semaphore_mem>>
      %dma_start3A = arith.constant 0 : i32
      %dma_start3A_29 = tpu.memref_slice %arg9[%add3A_14, %dma_start3A] : memref<10112x128xf32, #tpu.memory_space<vmem_shared>> -> memref<128x128xf32, #tpu.memory_space<vmem_shared>>
      %dma_start3A_30 = arith.constant 0 : i32
      %dma_start3A_31 = tpu.memref_slice %arg9[%add3A_14, %dma_start3A_30] : memref<10112x128xf32, #tpu.memory_space<vmem_shared>> -> memref<128x128xf32, #tpu.memory_space<vmem_shared>>
      tpu.enqueue_dma source(%arg8 : memref<128x128xf32, #tpu.memory_space<vmem>>) target(%dma_start3A_31 : memref<128x128xf32, #tpu.memory_space<vmem_shared>>) target_semaphore(%run_scoped3A : memref<!tpu.dma_semaphore, #tpu.memory_space<semaphore_mem>>)
      %dma_wait3A = arith.constant 0 : i32
      %dma_wait3A_32 = tpu.memref_slice %arg9[%add3A_14, %dma_wait3A] : memref<10112x128xf32, #tpu.memory_space<vmem_shared>> -> memref<128x128xf32, #tpu.memory_space<vmem_shared>>
      %dma_wait3A_33 = arith.constant 0 : i32
      %dma_wait3A_34 = tpu.memref_slice %arg9[%add3A_14, %dma_wait3A_33] : memref<10112x128xf32, #tpu.memory_space<vmem_shared>> -> memref<128x128xf32, #tpu.memory_space<vmem_shared>>
      tpu.wait_dma2 semaphore(%run_scoped3A : memref<!tpu.dma_semaphore, #tpu.memory_space<semaphore_mem>>) src(%arg8 : memref<128x128xf32, #tpu.memory_space<vmem>>) dst(%dma_wait3A_34 : memref<128x128xf32, #tpu.memory_space<vmem_shared>>)
      tpu.yield
    }) : () -> ()
    %add3A_15 = arith.constant 256 : i32
    %add3A_16 = arith.addi %mul3A_10, %add3A_15 : i32
    "tpu.region"() ({
      %run_scoped3A = tpu.sem_alloc : memref<!tpu.dma_semaphore, #tpu.memory_space<semaphore_mem>>
      %dma_start3A = arith.constant 0 : i32
      %dma_start3A_29 = tpu.memref_slice %arg9[%add3A_16, %dma_start3A] : memref<10112x128xf32, #tpu.memory_space<vmem_shared>> -> memref<128x128xf32, #tpu.memory_space<vmem_shared>>
      %dma_start3A_30 = arith.constant 0 : i32
      %dma_start3A_31 = tpu.memref_slice %arg9[%add3A_16, %dma_start3A_30] : memref<10112x128xf32, #tpu.memory_space<vmem_shared>> -> memref<128x128xf32, #tpu.memory_space<vmem_shared>>
      tpu.enqueue_dma source(%arg8 : memref<128x128xf32, #tpu.memory_space<vmem>>) target(%dma_start3A_31 : memref<128x128xf32, #tpu.memory_space<vmem_shared>>) target_semaphore(%run_scoped3A : memref<!tpu.dma_semaphore, #tpu.memory_space<semaphore_mem>>)
      %dma_wait3A = arith.constant 0 : i32
      %dma_wait3A_32 = tpu.memref_slice %arg9[%add3A_16, %dma_wait3A] : memref<10112x128xf32, #tpu.memory_space<vmem_shared>> -> memref<128x128xf32, #tpu.memory_space<vmem_shared>>
      %dma_wait3A_33 = arith.constant 0 : i32
      %dma_wait3A_34 = tpu.memref_slice %arg9[%add3A_16, %dma_wait3A_33] : memref<10112x128xf32, #tpu.memory_space<vmem_shared>> -> memref<128x128xf32, #tpu.memory_space<vmem_shared>>
      tpu.wait_dma2 semaphore(%run_scoped3A : memref<!tpu.dma_semaphore, #tpu.memory_space<semaphore_mem>>) src(%arg8 : memref<128x128xf32, #tpu.memory_space<vmem>>) dst(%dma_wait3A_34 : memref<128x128xf32, #tpu.memory_space<vmem_shared>>)
      tpu.yield
    }) : () -> ()
    %add3A_17 = arith.constant 384 : i32
    %add3A_18 = arith.addi %mul3A_10, %add3A_17 : i32
    "tpu.region"() ({
      %run_scoped3A = tpu.sem_alloc : memref<!tpu.dma_semaphore, #tpu.memory_space<semaphore_mem>>
      %dma_start3A = arith.constant 0 : i32
      %dma_start3A_29 = tpu.memref_slice %arg9[%add3A_18, %dma_start3A] : memref<10112x128xf32, #tpu.memory_space<vmem_shared>> -> memref<128x128xf32, #tpu.memory_space<vmem_shared>>
      %dma_start3A_30 = arith.constant 0 : i32
      %dma_start3A_31 = tpu.memref_slice %arg9[%add3A_18, %dma_start3A_30] : memref<10112x128xf32, #tpu.memory_space<vmem_shared>> -> memref<128x128xf32, #tpu.memory_space<vmem_shared>>
      tpu.enqueue_dma source(%arg8 : memref<128x128xf32, #tpu.memory_space<vmem>>) target(%dma_start3A_31 : memref<128x128xf32, #tpu.memory_space<vmem_shared>>) target_semaphore(%run_scoped3A : memref<!tpu.dma_semaphore, #tpu.memory_space<semaphore_mem>>)
      %dma_wait3A = arith.constant 0 : i32
      %dma_wait3A_32 = tpu.memref_slice %arg9[%add3A_18, %dma_wait3A] : memref<10112x128xf32, #tpu.memory_space<vmem_shared>> -> memref<128x128xf32, #tpu.memory_space<vmem_shared>>
      %dma_wait3A_33 = arith.constant 0 : i32
      %dma_wait3A_34 = tpu.memref_slice %arg9[%add3A_18, %dma_wait3A_33] : memref<10112x128xf32, #tpu.memory_space<vmem_shared>> -> memref<128x128xf32, #tpu.memory_space<vmem_shared>>
      tpu.wait_dma2 semaphore(%run_scoped3A : memref<!tpu.dma_semaphore, #tpu.memory_space<semaphore_mem>>) src(%arg8 : memref<128x128xf32, #tpu.memory_space<vmem>>) dst(%dma_wait3A_34 : memref<128x128xf32, #tpu.memory_space<vmem_shared>>)
      tpu.yield
    }) : () -> ()
    %add3A_19 = arith.constant 512 : i32
    %add3A_20 = arith.addi %mul3A_10, %add3A_19 : i32
    "tpu.region"() ({
      %run_scoped3A = tpu.sem_alloc : memref<!tpu.dma_semaphore, #tpu.memory_space<semaphore_mem>>
      %dma_start3A = arith.constant 0 : i32
      %dma_start3A_29 = arith.constant 0 : i32
      %dma_start3A_30 = tpu.memref_slice %arg8[%dma_start3A, %dma_start3A_29] : memref<128x128xf32, #tpu.memory_space<vmem>> -> memref<120x128xf32, #tpu.memory_space<vmem>>
      %dma_start3A_31 = arith.constant 0 : i32
      %dma_start3A_32 = tpu.memref_slice %arg9[%add3A_20, %dma_start3A_31] : memref<10112x128xf32, #tpu.memory_space<vmem_shared>> -> memref<120x128xf32, #tpu.memory_space<vmem_shared>>
      %dma_start3A_33 = arith.constant 0 : i32
      %dma_start3A_34 = tpu.memref_slice %arg9[%add3A_20, %dma_start3A_33] : memref<10112x128xf32, #tpu.memory_space<vmem_shared>> -> memref<120x128xf32, #tpu.memory_space<vmem_shared>>
      %dma_start3A_35 = arith.constant 0 : i32
      %dma_start3A_36 = arith.constant 0 : i32
      %dma_start3A_37 = tpu.memref_slice %arg8[%dma_start3A_35, %dma_start3A_36] : memref<128x128xf32, #tpu.memory_space<vmem>> -> memref<120x128xf32, #tpu.memory_space<vmem>>
      tpu.enqueue_dma source(%dma_start3A_37 : memref<120x128xf32, #tpu.memory_space<vmem>>) target(%dma_start3A_34 : memref<120x128xf32, #tpu.memory_space<vmem_shared>>) target_semaphore(%run_scoped3A : memref<!tpu.dma_semaphore, #tpu.memory_space<semaphore_mem>>)
      %dma_wait3A = arith.constant 0 : i32
      %dma_wait3A_38 = arith.constant 0 : i32
      %dma_wait3A_39 = tpu.memref_slice %arg8[%dma_wait3A, %dma_wait3A_38] : memref<128x128xf32, #tpu.memory_space<vmem>> -> memref<120x128xf32, #tpu.memory_space<vmem>>
      %dma_wait3A_40 = arith.constant 0 : i32
      %dma_wait3A_41 = tpu.memref_slice %arg9[%add3A_20, %dma_wait3A_40] : memref<10112x128xf32, #tpu.memory_space<vmem_shared>> -> memref<120x128xf32, #tpu.memory_space<vmem_shared>>
      %dma_wait3A_42 = arith.constant 0 : i32
      %dma_wait3A_43 = tpu.memref_slice %arg9[%add3A_20, %dma_wait3A_42] : memref<10112x128xf32, #tpu.memory_space<vmem_shared>> -> memref<120x128xf32, #tpu.memory_space<vmem_shared>>
      %dma_wait3A_44 = arith.constant 0 : i32
      %dma_wait3A_45 = arith.constant 0 : i32
      %dma_wait3A_46 = tpu.memref_slice %arg8[%dma_wait3A_44, %dma_wait3A_45] : memref<128x128xf32, #tpu.memory_space<vmem>> -> memref<120x128xf32, #tpu.memory_space<vmem>>
      tpu.wait_dma2 semaphore(%run_scoped3A : memref<!tpu.dma_semaphore, #tpu.memory_space<semaphore_mem>>) src(%dma_wait3A_46 : memref<120x128xf32, #tpu.memory_space<vmem>>) dst(%dma_wait3A_43 : memref<120x128xf32, #tpu.memory_space<vmem_shared>>)
      tpu.yield
    }) : () -> ()
    "tpu.region"() ({
      %run_scoped3A = tpu.sem_alloc : memref<!tpu.dma_semaphore, #tpu.memory_space<semaphore_mem>>
      %dma_start3A = arith.constant 0 : i32
      %dma_start3A_29 = arith.constant 0 : i32
      %dma_start3A_30 = tpu.memref_slice %arg3[%add3A, %dma_start3A, %dma_start3A_29] : memref<32x79x128xi32, #tpu.memory_space<hbm>> -> memref<1x79x128xi32, #tpu.memory_space<hbm>>
      %dma_start3A_31 = tpu.memref_squeeze %dma_start3A_30 : memref<1x79x128xi32, #tpu.memory_space<hbm>> -> memref<79x128xi32, #tpu.memory_space<hbm>>
      %dma_start3A_32 = arith.constant 0 : i32
      %dma_start3A_33 = arith.constant 0 : i32
      %dma_start3A_34 = tpu.memref_slice %arg3[%add3A, %dma_start3A_32, %dma_start3A_33] : memref<32x79x128xi32, #tpu.memory_space<hbm>> -> memref<1x79x128xi32, #tpu.memory_space<hbm>>
      %dma_start3A_35 = tpu.memref_squeeze %dma_start3A_34 : memref<1x79x128xi32, #tpu.memory_space<hbm>> -> memref<79x128xi32, #tpu.memory_space<hbm>>
      tpu.enqueue_dma source(%dma_start3A_35 : memref<79x128xi32, #tpu.memory_space<hbm>>) target(%arg6 : memref<79x128xi32, #tpu.memory_space<vmem>>) target_semaphore(%run_scoped3A : memref<!tpu.dma_semaphore, #tpu.memory_space<semaphore_mem>>)
      %dma_wait3A = arith.constant 0 : i32
      %dma_wait3A_36 = arith.constant 0 : i32
      %dma_wait3A_37 = tpu.memref_slice %arg3[%add3A, %dma_wait3A, %dma_wait3A_36] : memref<32x79x128xi32, #tpu.memory_space<hbm>> -> memref<1x79x128xi32, #tpu.memory_space<hbm>>
      %dma_wait3A_38 = tpu.memref_squeeze %dma_wait3A_37 : memref<1x79x128xi32, #tpu.memory_space<hbm>> -> memref<79x128xi32, #tpu.memory_space<hbm>>
      %dma_wait3A_39 = arith.constant 0 : i32
      %dma_wait3A_40 = arith.constant 0 : i32
      %dma_wait3A_41 = tpu.memref_slice %arg3[%add3A, %dma_wait3A_39, %dma_wait3A_40] : memref<32x79x128xi32, #tpu.memory_space<hbm>> -> memref<1x79x128xi32, #tpu.memory_space<hbm>>
      %dma_wait3A_42 = tpu.memref_squeeze %dma_wait3A_41 : memref<1x79x128xi32, #tpu.memory_space<hbm>> -> memref<79x128xi32, #tpu.memory_space<hbm>>
      tpu.wait_dma2 semaphore(%run_scoped3A : memref<!tpu.dma_semaphore, #tpu.memory_space<semaphore_mem>>) src(%dma_wait3A_42 : memref<79x128xi32, #tpu.memory_space<hbm>>) dst(%arg6 : memref<79x128xi32, #tpu.memory_space<vmem>>)
      tpu.yield
    }) : () -> ()
    "tpu.region"() ({
      %run_scoped3A = tpu.sem_alloc : memref<!tpu.dma_semaphore, #tpu.memory_space<semaphore_mem>>
      %dma_start3A = arith.constant 0 : i32
      %dma_start3A_29 = arith.constant 0 : i32
      %dma_start3A_30 = tpu.memref_slice %arg4[%add3A, %dma_start3A, %dma_start3A_29] : memref<32x79x128xi32, #tpu.memory_space<hbm>> -> memref<1x79x128xi32, #tpu.memory_space<hbm>>
      %dma_start3A_31 = tpu.memref_squeeze %dma_start3A_30 : memref<1x79x128xi32, #tpu.memory_space<hbm>> -> memref<79x128xi32, #tpu.memory_space<hbm>>
      %dma_start3A_32 = arith.constant 0 : i32
      %dma_start3A_33 = arith.constant 0 : i32
      %dma_start3A_34 = tpu.memref_slice %arg4[%add3A, %dma_start3A_32, %dma_start3A_33] : memref<32x79x128xi32, #tpu.memory_space<hbm>> -> memref<1x79x128xi32, #tpu.memory_space<hbm>>
      %dma_start3A_35 = tpu.memref_squeeze %dma_start3A_34 : memref<1x79x128xi32, #tpu.memory_space<hbm>> -> memref<79x128xi32, #tpu.memory_space<hbm>>
      tpu.enqueue_dma source(%dma_start3A_35 : memref<79x128xi32, #tpu.memory_space<hbm>>) target(%arg7 : memref<79x128xi32, #tpu.memory_space<vmem>>) target_semaphore(%run_scoped3A : memref<!tpu.dma_semaphore, #tpu.memory_space<semaphore_mem>>)
      %dma_wait3A = arith.constant 0 : i32
      %dma_wait3A_36 = arith.constant 0 : i32
      %dma_wait3A_37 = tpu.memref_slice %arg4[%add3A, %dma_wait3A, %dma_wait3A_36] : memref<32x79x128xi32, #tpu.memory_space<hbm>> -> memref<1x79x128xi32, #tpu.memory_space<hbm>>
      %dma_wait3A_38 = tpu.memref_squeeze %dma_wait3A_37 : memref<1x79x128xi32, #tpu.memory_space<hbm>> -> memref<79x128xi32, #tpu.memory_space<hbm>>
      %dma_wait3A_39 = arith.constant 0 : i32
      %dma_wait3A_40 = arith.constant 0 : i32
      %dma_wait3A_41 = tpu.memref_slice %arg4[%add3A, %dma_wait3A_39, %dma_wait3A_40] : memref<32x79x128xi32, #tpu.memory_space<hbm>> -> memref<1x79x128xi32, #tpu.memory_space<hbm>>
      %dma_wait3A_42 = tpu.memref_squeeze %dma_wait3A_41 : memref<1x79x128xi32, #tpu.memory_space<hbm>> -> memref<79x128xi32, #tpu.memory_space<hbm>>
      tpu.wait_dma2 semaphore(%run_scoped3A : memref<!tpu.dma_semaphore, #tpu.memory_space<semaphore_mem>>) src(%dma_wait3A_42 : memref<79x128xi32, #tpu.memory_space<hbm>>) dst(%arg7 : memref<79x128xi32, #tpu.memory_space<vmem>>)
      tpu.yield
    }) : () -> ()
    %barrier3A = arith.constant 0 : index
    tpu.barrier barrier_id(%barrier3A)
    %scan3A_21 = arith.constant 0 : i32
    %scan3A_22 = arith.constant 0 : i32
    %scan3A_23 = arith.constant 79 : i32
    %scan3A_24 = arith.addi %scan3A_22, %scan3A_23 : i32
    %scan3A_25 = arith.constant 1 : i32
    %scan3A_26 = scf.for %scan3A_29 = %scan3A_22 to %scan3A_24 step %scan3A_25 iter_args(%scan3A_30 = %scan3A_21) -> (i32)  : i32 {
      "tpu.region"() ({
        %run_scoped3A = tpu.sem_alloc : memref<!tpu.dma_semaphore, #tpu.memory_space<semaphore_mem>>
        %dma_start3A = arith.constant 0 : i32
        %dma_start3A_32 = tpu.memref_slice %arg6[%scan3A_29, %dma_start3A] : memref<79x128xi32, #tpu.memory_space<vmem>> -> memref<1x128xi32, #tpu.memory_space<vmem>>
        %dma_start3A_33 = tpu.memref_squeeze %dma_start3A_32 : memref<1x128xi32, #tpu.memory_space<vmem>> -> memref<128xi32, #tpu.memory_space<vmem>>
        %dma_start3A_34 = arith.constant 0 : i32
        %dma_start3A_35 = arith.constant 0 : i32
        %dma_start3A_36 = tpu.memref_slice %arg2[%dma_start3A_34, %dma_start3A_35] : memref<10112x128xf32, #tpu.memory_space<hbm>> -> memref<10112x128xf32, #tpu.memory_space<hbm>>
        tpu.enqueue_indirect_dma source(%dma_start3A_36 : memref<10112x128xf32, #tpu.memory_space<hbm>>) target(%arg8 : memref<128x128xf32, #tpu.memory_space<vmem>>) offsets(%dma_start3A_33 : memref<128xi32, #tpu.memory_space<vmem>>) semaphore(%run_scoped3A : memref<!tpu.dma_semaphore, #tpu.memory_space<semaphore_mem>>)
        %dma_wait3A = arith.constant 0 : i32
        %dma_wait3A_37 = tpu.memref_slice %arg6[%scan3A_29, %dma_wait3A] : memref<79x128xi32, #tpu.memory_space<vmem>> -> memref<1x128xi32, #tpu.memory_space<vmem>>
        %dma_wait3A_38 = tpu.memref_squeeze %dma_wait3A_37 : memref<1x128xi32, #tpu.memory_space<vmem>> -> memref<128xi32, #tpu.memory_space<vmem>>
        %dma_wait3A_39 = arith.constant 0 : i32
        %dma_wait3A_40 = arith.constant 0 : i32
        %dma_wait3A_41 = tpu.memref_slice %arg2[%dma_wait3A_39, %dma_wait3A_40] : memref<10112x128xf32, #tpu.memory_space<hbm>> -> memref<10112x128xf32, #tpu.memory_space<hbm>>
        tpu.wait_indirect_dma semaphore(%run_scoped3A : memref<!tpu.dma_semaphore, #tpu.memory_space<semaphore_mem>>) src(%dma_wait3A_41 : memref<10112x128xf32, #tpu.memory_space<hbm>>) dst(%arg8 : memref<128x128xf32, #tpu.memory_space<vmem>>)
        tpu.yield
      }) : () -> ()
      "tpu.region"() ({
        %run_scoped3A = tpu.sem_alloc : memref<!tpu.dma_semaphore, #tpu.memory_space<semaphore_mem>>
        %dma_start3A = arith.constant 0 : i32
        %dma_start3A_32 = tpu.memref_slice %arg7[%scan3A_29, %dma_start3A] : memref<79x128xi32, #tpu.memory_space<vmem>> -> memref<1x128xi32, #tpu.memory_space<vmem>>
        %dma_start3A_33 = tpu.memref_squeeze %dma_start3A_32 : memref<1x128xi32, #tpu.memory_space<vmem>> -> memref<128xi32, #tpu.memory_space<vmem>>
        %dma_start3A_34 = arith.constant 0 : i32
        %dma_start3A_35 = arith.constant 0 : i32
        %dma_start3A_36 = tpu.memref_slice %arg9[%dma_start3A_34, %dma_start3A_35] : memref<10112x128xf32, #tpu.memory_space<vmem_shared>> -> memref<10112x128xf32, #tpu.memory_space<vmem_shared>>
        tpu.enqueue_indirect_dma source(%arg8 : memref<128x128xf32, #tpu.memory_space<vmem>>) target(%dma_start3A_36 : memref<10112x128xf32, #tpu.memory_space<vmem_shared>>) offsets(%dma_start3A_33 : memref<128xi32, #tpu.memory_space<vmem>>) semaphore(%run_scoped3A : memref<!tpu.dma_semaphore, #tpu.memory_space<semaphore_mem>>) {add = true}
        %dma_wait3A = arith.constant 0 : i32
        %dma_wait3A_37 = tpu.memref_slice %arg7[%scan3A_29, %dma_wait3A] : memref<79x128xi32, #tpu.memory_space<vmem>> -> memref<1x128xi32, #tpu.memory_space<vmem>>
        %dma_wait3A_38 = tpu.memref_squeeze %dma_wait3A_37 : memref<1x128xi32, #tpu.memory_space<vmem>> -> memref<128xi32, #tpu.memory_space<vmem>>
        %dma_wait3A_39 = arith.constant 0 : i32
        %dma_wait3A_40 = arith.constant 0 : i32
        %dma_wait3A_41 = tpu.memref_slice %arg9[%dma_wait3A_39, %dma_wait3A_40] : memref<10112x128xf32, #tpu.memory_space<vmem_shared>> -> memref<10112x128xf32, #tpu.memory_space<vmem_shared>>
        tpu.wait_indirect_dma semaphore(%run_scoped3A : memref<!tpu.dma_semaphore, #tpu.memory_space<semaphore_mem>>) src(%arg8 : memref<128x128xf32, #tpu.memory_space<vmem>>) dst(%dma_wait3A_41 : memref<10112x128xf32, #tpu.memory_space<vmem_shared>>)
        tpu.yield
      }) : () -> ()
      %scan3A_31 = arith.constant 0 : i32
      scf.yield %scan3A_31 : i32
    }
    %scan3A_27 = arith.constant 79 : i32
    %barrier3A_28 = arith.constant 0 : index
    tpu.barrier barrier_id(%barrier3A_28)
    "tpu.region"() ({
      %run_scoped3A = tpu.sem_alloc : memref<!tpu.dma_semaphore, #tpu.memory_space<semaphore_mem>>
      %dma_start3A = arith.constant 0 : i32
      %dma_start3A_29 = tpu.memref_slice %arg5[%arg0, %mul3A_2, %dma_start3A] : memref<2x10112x128xf32, #tpu.memory_space<hbm>> -> memref<1x632x128xf32, #tpu.memory_space<hbm>>
      %dma_start3A_30 = tpu.memref_squeeze %dma_start3A_29 : memref<1x632x128xf32, #tpu.memory_space<hbm>> -> memref<632x128xf32, #tpu.memory_space<hbm>>
      %dma_start3A_31 = arith.constant 0 : i32
      %dma_start3A_32 = tpu.memref_slice %arg9[%mul3A_2, %dma_start3A_31] : memref<10112x128xf32, #tpu.memory_space<vmem_shared>> -> memref<632x128xf32, #tpu.memory_space<vmem_shared>>
      tpu.enqueue_dma source(%dma_start3A_32 : memref<632x128xf32, #tpu.memory_space<vmem_shared>>) target(%dma_start3A_30 : memref<632x128xf32, #tpu.memory_space<hbm>>) target_semaphore(%run_scoped3A : memref<!tpu.dma_semaphore, #tpu.memory_space<semaphore_mem>>)
      %dma_wait3A = arith.constant 0 : i32
      %dma_wait3A_33 = tpu.memref_slice %arg5[%arg0, %mul3A_2, %dma_wait3A] : memref<2x10112x128xf32, #tpu.memory_space<hbm>> -> memref<1x632x128xf32, #tpu.memory_space<hbm>>
      %dma_wait3A_34 = tpu.memref_squeeze %dma_wait3A_33 : memref<1x632x128xf32, #tpu.memory_space<hbm>> -> memref<632x128xf32, #tpu.memory_space<hbm>>
      %dma_wait3A_35 = arith.constant 0 : i32
      %dma_wait3A_36 = tpu.memref_slice %arg9[%mul3A_2, %dma_wait3A_35] : memref<10112x128xf32, #tpu.memory_space<vmem_shared>> -> memref<632x128xf32, #tpu.memory_space<vmem_shared>>
      tpu.wait_dma2 semaphore(%run_scoped3A : memref<!tpu.dma_semaphore, #tpu.memory_space<semaphore_mem>>) src(%dma_wait3A_36 : memref<632x128xf32, #tpu.memory_space<vmem_shared>>) dst(%dma_wait3A_34 : memref<632x128xf32, #tpu.memory_space<hbm>>)
      tpu.yield
    }) : () -> ()
    return
  }
}

module attributes {stable_mosaic.version = 14 : i64} {
  func.func @_k0_body(%arg0: i32, %arg1: memref<2528x128xf32, #tpu.memory_space<vmem>>, %arg2: memref<128x128xf32, #tpu.memory_space<vmem>>, %arg3: memref<1x128xf32, #tpu.memory_space<vmem>>, %arg4: memref<2x2528x128xf32, #tpu.memory_space<vmem>>, %arg5: memref<2528x128xf32, #tpu.memory_space<vmem>>, %arg6: memref<2528x128xf32, #tpu.memory_space<vmem>>, %arg7: memref<2528x1xf32, #tpu.memory_space<vmem>>) attributes {dimension_semantics = [#tpu.dimension_semantics<arbitrary>], iteration_bounds = array<i64: 4>, scalar_prefetch = 0 : i64, scratch_operands = 0 : i64, tpu.core_type = #tpu.core_type<tc>, window_params = [{transform_indices = @transform_0, window_bounds = array<i64: 2528, 128>}, {pipeline_mode = #tpu.pipeline_mode<synchronous>, transform_indices = @transform_1, window_bounds = array<i64: 128, 128>}, {pipeline_mode = #tpu.pipeline_mode<synchronous>, transform_indices = @transform_2, window_bounds = array<i64: 1, 128>}, {transform_indices = @transform_3, window_bounds = array<i64: 2, 2528, 128>}, {transform_indices = @transform_4, window_bounds = array<i64: 2528, 128>}, {transform_indices = @transform_5, window_bounds = array<i64: 2528, 128>}, {transform_indices = @transform_6, window_bounds = array<i64: 2528, 1>}]} {
    %get3A = arith.constant 0 : index
    %get3A_0 = arith.constant 0 : index
    %get3A_1 = arith.constant 0 : index
    %get3A_2 = vector.load %arg4[%get3A, %get3A_0, %get3A_1] : memref<2x2528x128xf32, #tpu.memory_space<vmem>>, vector<1x2528x1xf32>
    %get3A_3 = vector.shape_cast %get3A_2 : vector<1x2528x1xf32> to vector<2528xf32>
    %get3A_4 = arith.constant 1 : index
    %get3A_5 = arith.constant 0 : index
    %get3A_6 = arith.constant 0 : index
    %get3A_7 = vector.load %arg4[%get3A_4, %get3A_5, %get3A_6] : memref<2x2528x128xf32, #tpu.memory_space<vmem>>, vector<1x2528x1xf32>
    %get3A_8 = vector.shape_cast %get3A_7 : vector<1x2528x1xf32> to vector<2528xf32>
    %add3A = arith.addf %get3A_3, %get3A_8 : vector<2528xf32>
    %gt3A = arith.constant 0.000000e+00 : f32
    %gt3A_9 = vector.broadcast %gt3A : f32 to vector<2528xf32>
    %gt3A_10 = arith.cmpf ogt, %add3A, %gt3A_9 : vector<2528xf32>
    %rsqrt3A = math.rsqrt %add3A : vector<2528xf32>
    %jit3A = arith.constant 0.000000e+00 : f32
    %broadcast_in_dim3A = vector.broadcast %jit3A : f32 to vector<2528xf32>
    %select_n3A = arith.select %gt3A_10, %rsqrt3A, %broadcast_in_dim3A : vector<2528xi1>, vector<2528xf32>
    %get3A_11 = arith.constant 0 : index
    %get3A_12 = arith.constant 0 : index
    %get3A_13 = vector.load %arg1[%get3A_11, %get3A_12] : memref<2528x128xf32, #tpu.memory_space<vmem>>, vector<2528x128xf32>
    %get3A_14 = arith.constant 0 : index
    %get3A_15 = arith.constant 0 : index
    %get3A_16 = vector.load %arg2[%get3A_14, %get3A_15] : memref<128x128xf32, #tpu.memory_space<vmem>>, vector<128x128xf32>
    %dot_general3A = arith.constant dense<0.000000e+00> : vector<2528x128xf32>
    %dot_general3A_17 = tpu.matmul %get3A_13, %get3A_16, %dot_general3A {dimension_numbers = #tpu.dot_dimension_numbers<[1], [0], [0], [1], [0, 0, 1, 1], [], []>, transpose_lhs_hint = false} : vector<2528x128xf32>, vector<128x128xf32>, vector<2528x128xf32> -> vector<2528x128xf32>
    %get3A_18 = arith.constant 0 : index
    %get3A_19 = arith.constant 0 : index
    %get3A_20 = vector.load %arg3[%get3A_18, %get3A_19] : memref<1x128xf32, #tpu.memory_space<vmem>>, vector<1x128xf32>
    %add3A_21 = vector.broadcast %get3A_20 : vector<1x128xf32> to vector<2528x128xf32>
    %add3A_22 = arith.addf %dot_general3A_17, %add3A_21 : vector<2528x128xf32>
    %max3A = arith.constant 0.000000e+00 : f32
    %max3A_23 = vector.broadcast %max3A : f32 to vector<2528x128xf32>
    %max3A_24 = arith.maximumf %add3A_22, %max3A_23 : vector<2528x128xf32>
    %swap3A = arith.constant 0 : index
    %swap3A_25 = arith.constant 0 : index
    %swap3A_26 = vector.load %arg5[%swap3A, %swap3A_25] : memref<2528x128xf32, #tpu.memory_space<vmem>>, vector<2528x128xf32>
    tpu.vector_store %arg5[%swap3A, %swap3A_25], %max3A_24 {strides = array<i32>} : memref<2528x128xf32, #tpu.memory_space<vmem>>, vector<2528x128xf32>,
    %broadcast_in_dim3A_27 = vector.shape_cast %select_n3A : vector<2528xf32> to vector<2528x1xf32>
    %mul3A = vector.broadcast %broadcast_in_dim3A_27 : vector<2528x1xf32> to vector<2528x128xf32>
    %mul3A_28 = arith.mulf %max3A_24, %mul3A : vector<2528x128xf32>
    %swap3A_29 = arith.constant 0 : index
    %swap3A_30 = arith.constant 0 : index
    %swap3A_31 = vector.load %arg6[%swap3A_29, %swap3A_30] : memref<2528x128xf32, #tpu.memory_space<vmem>>, vector<2528x128xf32>
    tpu.vector_store %arg6[%swap3A_29, %swap3A_30], %mul3A_28 {strides = array<i32>} : memref<2528x128xf32, #tpu.memory_space<vmem>>, vector<2528x128xf32>,
    %broadcast_in_dim3A_32 = vector.shape_cast %select_n3A : vector<2528xf32> to vector<2528x1xf32>
    %swap3A_33 = arith.constant 0 : index
    %swap3A_34 = arith.constant 0 : index
    %swap3A_35 = vector.load %arg7[%swap3A_33, %swap3A_34] : memref<2528x1xf32, #tpu.memory_space<vmem>>, vector<2528x1xf32>
    tpu.vector_store %arg7[%swap3A_33, %swap3A_34], %broadcast_in_dim3A_32 {strides = array<i32>} : memref<2528x1xf32, #tpu.memory_space<vmem>>, vector<2528x1xf32>,
    return
  }
  func.func @transform_0(%arg0: i32) -> (i32, i32) {
    %c0_i32 = arith.constant 0 : i32
    %c0_i32_0 = arith.constant 0 : i32
    return %arg0, %c0_i32 : i32, i32
  }
  func.func @transform_1(%arg0: i32) -> (i32, i32) {
    %c0_i32 = arith.constant 0 : i32
    %c0_i32_0 = arith.constant 0 : i32
    %c0_i32_1 = arith.constant 0 : i32
    return %c0_i32, %c0_i32_0 : i32, i32
  }
  func.func @transform_2(%arg0: i32) -> (i32, i32) {
    %c0_i32 = arith.constant 0 : i32
    %c0_i32_0 = arith.constant 0 : i32
    %c0_i32_1 = arith.constant 0 : i32
    return %c0_i32, %c0_i32_0 : i32, i32
  }
  func.func @transform_3(%arg0: i32) -> (i32, i32, i32) {
    %c0_i32 = arith.constant 0 : i32
    %c0_i32_0 = arith.constant 0 : i32
    %c0_i32_1 = arith.constant 0 : i32
    return %c0_i32, %arg0, %c0_i32_0 : i32, i32, i32
  }
  func.func @transform_4(%arg0: i32) -> (i32, i32) {
    %c0_i32 = arith.constant 0 : i32
    %c0_i32_0 = arith.constant 0 : i32
    return %arg0, %c0_i32 : i32, i32
  }
  func.func @transform_5(%arg0: i32) -> (i32, i32) {
    %c0_i32 = arith.constant 0 : i32
    %c0_i32_0 = arith.constant 0 : i32
    return %arg0, %c0_i32 : i32, i32
  }
  func.func @transform_6(%arg0: i32) -> (i32, i32) {
    %c0_i32 = arith.constant 0 : i32
    %c0_i32_0 = arith.constant 0 : i32
    return %arg0, %c0_i32 : i32, i32
  }
}

module attributes {stable_mosaic.version = 14 : i64} {
  func.func @_k2_body(%arg0: i32, %arg1: memref<2x2528x128xf32, #tpu.memory_space<vmem>>, %arg2: memref<2528x128xf32, #tpu.memory_space<vmem>>, %arg3: memref<2528x1xf32, #tpu.memory_space<vmem>>, %arg4: memref<128x4xf32, #tpu.memory_space<vmem>>, %arg5: memref<1x4xf32, #tpu.memory_space<vmem>>, %arg6: memref<128x512xf32, #tpu.memory_space<vmem>>, %arg7: memref<128x512xf32, #tpu.memory_space<vmem>>, %arg8: memref<128x64xf32, #tpu.memory_space<vmem>>, %arg9: memref<1x64xf32, #tpu.memory_space<vmem>>, %arg10: memref<2528x64xf32, #tpu.memory_space<vmem>>) attributes {dimension_semantics = [#tpu.dimension_semantics<arbitrary>], iteration_bounds = array<i64: 4>, scalar_prefetch = 0 : i64, scratch_operands = 0 : i64, tpu.core_type = #tpu.core_type<tc>, window_params = [{transform_indices = @transform_0, window_bounds = array<i64: 2, 2528, 128>}, {transform_indices = @transform_1, window_bounds = array<i64: 2528, 128>}, {transform_indices = @transform_2, window_bounds = array<i64: 2528, 1>}, {pipeline_mode = #tpu.pipeline_mode<synchronous>, transform_indices = @transform_3, window_bounds = array<i64: 128, 4>}, {pipeline_mode = #tpu.pipeline_mode<synchronous>, transform_indices = @transform_4, window_bounds = array<i64: 1, 4>}, {pipeline_mode = #tpu.pipeline_mode<synchronous>, transform_indices = @transform_5, window_bounds = array<i64: 128, 512>}, {pipeline_mode = #tpu.pipeline_mode<synchronous>, transform_indices = @transform_6, window_bounds = array<i64: 128, 512>}, {pipeline_mode = #tpu.pipeline_mode<synchronous>, transform_indices = @transform_7, window_bounds = array<i64: 128, 64>}, {pipeline_mode = #tpu.pipeline_mode<synchronous>, transform_indices = @transform_8, window_bounds = array<i64: 1, 64>}, {transform_indices = @transform_9, window_bounds = array<i64: 2528, 64>}]} {
    %get3A = arith.constant 0 : index
    %get3A_0 = arith.constant 0 : index
    %get3A_1 = vector.load %arg3[%get3A, %get3A_0] : memref<2528x1xf32, #tpu.memory_space<vmem>>, vector<2528x1xf32>
    %get3A_2 = arith.constant 0 : index
    %get3A_3 = arith.constant 0 : index
    %get3A_4 = vector.load %arg2[%get3A_2, %get3A_3] : memref<2528x128xf32, #tpu.memory_space<vmem>>, vector<2528x128xf32>
    %get3A_5 = arith.constant 0 : index
    %get3A_6 = arith.constant 0 : index
    %get3A_7 = arith.constant 0 : index
    %get3A_8 = vector.load %arg1[%get3A_5, %get3A_6, %get3A_7] : memref<2x2528x128xf32, #tpu.memory_space<vmem>>, vector<1x2528x128xf32>
    %get3A_9 = vector.shape_cast %get3A_8 : vector<1x2528x128xf32> to vector<2528x128xf32>
    %get3A_10 = arith.constant 1 : index
    %get3A_11 = arith.constant 0 : index
    %get3A_12 = arith.constant 0 : index
    %get3A_13 = vector.load %arg1[%get3A_10, %get3A_11, %get3A_12] : memref<2x2528x128xf32, #tpu.memory_space<vmem>>, vector<1x2528x128xf32>
    %get3A_14 = vector.shape_cast %get3A_13 : vector<1x2528x128xf32> to vector<2528x128xf32>
    %add3A = arith.addf %get3A_9, %get3A_14 : vector<2528x128xf32>
    %mul3A = vector.broadcast %get3A_1 : vector<2528x1xf32> to vector<2528x128xf32>
    %mul3A_15 = arith.mulf %add3A, %mul3A : vector<2528x128xf32>
    %get3A_16 = arith.constant 0 : index
    %get3A_17 = arith.constant 0 : index
    %get3A_18 = vector.load %arg4[%get3A_16, %get3A_17] : memref<128x4xf32, #tpu.memory_space<vmem>>, vector<128x4xf32>
    %dot_general3A = arith.constant dense<0.000000e+00> : vector<2528x4xf32>
    %dot_general3A_19 = tpu.matmul %get3A_4, %get3A_18, %dot_general3A {dimension_numbers = #tpu.dot_dimension_numbers<[1], [0], [0], [1], [0, 0, 1, 1], [], []>, transpose_lhs_hint = false} : vector<2528x128xf32>, vector<128x4xf32>, vector<2528x4xf32> -> vector<2528x4xf32>
    %get3A_20 = arith.constant 0 : index
    %get3A_21 = arith.constant 0 : index
    %get3A_22 = vector.load %arg5[%get3A_20, %get3A_21] : memref<1x4xf32, #tpu.memory_space<vmem>>, vector<1x4xf32>
    %add3A_23 = vector.broadcast %get3A_22 : vector<1x4xf32> to vector<2528x4xf32>
    %add3A_24 = arith.addf %dot_general3A_19, %add3A_23 : vector<2528x4xf32>
    %reduce_max3A = arith.constant dense<0xFF800000> : vector<2528xf32>
    %reduce_max3A_25 = vector.multi_reduction <maximumf>, %add3A_24, %reduce_max3A [1] : vector<2528x4xf32> to vector<2528xf32>
    %broadcast_in_dim3A = vector.shape_cast %reduce_max3A_25 : vector<2528xf32> to vector<2528x1xf32>
    %sub3A = vector.broadcast %broadcast_in_dim3A : vector<2528x1xf32> to vector<2528x4xf32>
    %sub3A_26 = arith.subf %add3A_24, %sub3A : vector<2528x4xf32>
    %exp3A = math.exp %sub3A_26 : vector<2528x4xf32>
    %reduce_sum3A = arith.constant dense<0.000000e+00> : vector<2528xf32>
    %reduce_sum3A_27 = vector.multi_reduction <add>, %exp3A, %reduce_sum3A [1] : vector<2528x4xf32> to vector<2528xf32>
    %broadcast_in_dim3A_28 = vector.shape_cast %reduce_sum3A_27 : vector<2528xf32> to vector<2528x1xf32>
    %div3A = vector.broadcast %broadcast_in_dim3A_28 : vector<2528x1xf32> to vector<2528x4xf32>
    %div3A_29 = arith.divf %exp3A, %div3A : vector<2528x4xf32>
    %get3A_30 = arith.constant 0 : index
    %get3A_31 = arith.constant 0 : index
    %get3A_32 = vector.load %arg6[%get3A_30, %get3A_31] : memref<128x512xf32, #tpu.memory_space<vmem>>, vector<128x512xf32>
    %dot_general3A_33 = arith.constant dense<0.000000e+00> : vector<2528x512xf32>
    %dot_general3A_34 = tpu.matmul %mul3A_15, %get3A_32, %dot_general3A_33 {dimension_numbers = #tpu.dot_dimension_numbers<[1], [0], [0], [1], [0, 0, 1, 1], [], []>, transpose_lhs_hint = false} : vector<2528x128xf32>, vector<128x512xf32>, vector<2528x512xf32> -> vector<2528x512xf32>
    %get3A_35 = arith.constant 0 : index
    %get3A_36 = arith.constant 0 : index
    %get3A_37 = vector.load %arg7[%get3A_35, %get3A_36] : memref<128x512xf32, #tpu.memory_space<vmem>>, vector<128x512xf32>
    %dot_general3A_38 = arith.constant dense<0.000000e+00> : vector<2528x512xf32>
    %dot_general3A_39 = tpu.matmul %get3A_4, %get3A_37, %dot_general3A_38 {dimension_numbers = #tpu.dot_dimension_numbers<[1], [0], [0], [1], [0, 0, 1, 1], [], []>, transpose_lhs_hint = false} : vector<2528x128xf32>, vector<128x512xf32>, vector<2528x512xf32> -> vector<2528x512xf32>
    %add3A_40 = arith.addf %dot_general3A_34, %dot_general3A_39 : vector<2528x512xf32>
    %slice3A = vector.extract_strided_slice %div3A_29 {offsets = [0, 0], sizes = [2528, 1], strides = [1, 1]} : vector<2528x4xf32> to vector<2528x1xf32>
    %slice3A_41 = vector.extract_strided_slice %add3A_40 {offsets = [0, 0], sizes = [2528, 128], strides = [1, 1]} : vector<2528x512xf32> to vector<2528x128xf32>
    %mul3A_42 = vector.broadcast %slice3A : vector<2528x1xf32> to vector<2528x128xf32>
    %mul3A_43 = arith.mulf %mul3A_42, %slice3A_41 : vector<2528x128xf32>
    %add3A_44 = arith.addf %get3A_4, %mul3A_43 : vector<2528x128xf32>
    %slice3A_45 = vector.extract_strided_slice %div3A_29 {offsets = [0, 1], sizes = [2528, 1], strides = [1, 1]} : vector<2528x4xf32> to vector<2528x1xf32>
    %slice3A_46 = vector.extract_strided_slice %add3A_40 {offsets = [0, 128], sizes = [2528, 128], strides = [1, 1]} : vector<2528x512xf32> to vector<2528x128xf32>
    %mul3A_47 = vector.broadcast %slice3A_45 : vector<2528x1xf32> to vector<2528x128xf32>
    %mul3A_48 = arith.mulf %mul3A_47, %slice3A_46 : vector<2528x128xf32>
    %add3A_49 = arith.addf %add3A_44, %mul3A_48 : vector<2528x128xf32>
    %slice3A_50 = vector.extract_strided_slice %div3A_29 {offsets = [0, 2], sizes = [2528, 1], strides = [1, 1]} : vector<2528x4xf32> to vector<2528x1xf32>
    %slice3A_51 = vector.extract_strided_slice %add3A_40 {offsets = [0, 256], sizes = [2528, 128], strides = [1, 1]} : vector<2528x512xf32> to vector<2528x128xf32>
    %mul3A_52 = vector.broadcast %slice3A_50 : vector<2528x1xf32> to vector<2528x128xf32>
    %mul3A_53 = arith.mulf %mul3A_52, %slice3A_51 : vector<2528x128xf32>
    %add3A_54 = arith.addf %add3A_49, %mul3A_53 : vector<2528x128xf32>
    %slice3A_55 = vector.extract_strided_slice %div3A_29 {offsets = [0, 3], sizes = [2528, 1], strides = [1, 1]} : vector<2528x4xf32> to vector<2528x1xf32>
    %slice3A_56 = vector.extract_strided_slice %add3A_40 {offsets = [0, 384], sizes = [2528, 128], strides = [1, 1]} : vector<2528x512xf32> to vector<2528x128xf32>
    %mul3A_57 = vector.broadcast %slice3A_55 : vector<2528x1xf32> to vector<2528x128xf32>
    %mul3A_58 = arith.mulf %mul3A_57, %slice3A_56 : vector<2528x128xf32>
    %add3A_59 = arith.addf %add3A_54, %mul3A_58 : vector<2528x128xf32>
    %max3A = arith.constant 0.000000e+00 : f32
    %max3A_60 = vector.broadcast %max3A : f32 to vector<2528x128xf32>
    %max3A_61 = arith.maximumf %add3A_59, %max3A_60 : vector<2528x128xf32>
    %get3A_62 = arith.constant 0 : index
    %get3A_63 = arith.constant 0 : index
    %get3A_64 = vector.load %arg8[%get3A_62, %get3A_63] : memref<128x64xf32, #tpu.memory_space<vmem>>, vector<128x64xf32>
    %dot_general3A_65 = arith.constant dense<0.000000e+00> : vector<2528x64xf32>
    %dot_general3A_66 = tpu.matmul %max3A_61, %get3A_64, %dot_general3A_65 {dimension_numbers = #tpu.dot_dimension_numbers<[1], [0], [0], [1], [0, 0, 1, 1], [], []>, transpose_lhs_hint = false} : vector<2528x128xf32>, vector<128x64xf32>, vector<2528x64xf32> -> vector<2528x64xf32>
    %get3A_67 = arith.constant 0 : index
    %get3A_68 = arith.constant 0 : index
    %get3A_69 = vector.load %arg9[%get3A_67, %get3A_68] : memref<1x64xf32, #tpu.memory_space<vmem>>, vector<1x64xf32>
    %add3A_70 = vector.broadcast %get3A_69 : vector<1x64xf32> to vector<2528x64xf32>
    %add3A_71 = arith.addf %dot_general3A_66, %add3A_70 : vector<2528x64xf32>
    %swap3A = arith.constant 0 : index
    %swap3A_72 = arith.constant 0 : index
    %swap3A_73 = vector.load %arg10[%swap3A, %swap3A_72] : memref<2528x64xf32, #tpu.memory_space<vmem>>, vector<2528x64xf32>
    tpu.vector_store %arg10[%swap3A, %swap3A_72], %add3A_71 {strides = array<i32>} : memref<2528x64xf32, #tpu.memory_space<vmem>>, vector<2528x64xf32>,
    return
  }
  func.func @transform_0(%arg0: i32) -> (i32, i32, i32) {
    %c0_i32 = arith.constant 0 : i32
    %c0_i32_0 = arith.constant 0 : i32
    %c0_i32_1 = arith.constant 0 : i32
    return %c0_i32, %arg0, %c0_i32_0 : i32, i32, i32
  }
  func.func @transform_1(%arg0: i32) -> (i32, i32) {
    %c0_i32 = arith.constant 0 : i32
    %c0_i32_0 = arith.constant 0 : i32
    return %arg0, %c0_i32 : i32, i32
  }
  func.func @transform_2(%arg0: i32) -> (i32, i32) {
    %c0_i32 = arith.constant 0 : i32
    %c0_i32_0 = arith.constant 0 : i32
    return %arg0, %c0_i32 : i32, i32
  }
  func.func @transform_3(%arg0: i32) -> (i32, i32) {
    %c0_i32 = arith.constant 0 : i32
    %c0_i32_0 = arith.constant 0 : i32
    %c0_i32_1 = arith.constant 0 : i32
    return %c0_i32, %c0_i32_0 : i32, i32
  }
  func.func @transform_4(%arg0: i32) -> (i32, i32) {
    %c0_i32 = arith.constant 0 : i32
    %c0_i32_0 = arith.constant 0 : i32
    %c0_i32_1 = arith.constant 0 : i32
    return %c0_i32, %c0_i32_0 : i32, i32
  }
  func.func @transform_5(%arg0: i32) -> (i32, i32) {
    %c0_i32 = arith.constant 0 : i32
    %c0_i32_0 = arith.constant 0 : i32
    %c0_i32_1 = arith.constant 0 : i32
    return %c0_i32, %c0_i32_0 : i32, i32
  }
  func.func @transform_6(%arg0: i32) -> (i32, i32) {
    %c0_i32 = arith.constant 0 : i32
    %c0_i32_0 = arith.constant 0 : i32
    %c0_i32_1 = arith.constant 0 : i32
    return %c0_i32, %c0_i32_0 : i32, i32
  }
  func.func @transform_7(%arg0: i32) -> (i32, i32) {
    %c0_i32 = arith.constant 0 : i32
    %c0_i32_0 = arith.constant 0 : i32
    %c0_i32_1 = arith.constant 0 : i32
    return %c0_i32, %c0_i32_0 : i32, i32
  }
  func.func @transform_8(%arg0: i32) -> (i32, i32) {
    %c0_i32 = arith.constant 0 : i32
    %c0_i32_0 = arith.constant 0 : i32
    %c0_i32_1 = arith.constant 0 : i32
    return %c0_i32, %c0_i32_0 : i32, i32
  }
  func.func @transform_9(%arg0: i32) -> (i32, i32) {
    %c0_i32 = arith.constant 0 : i32
    %c0_i32_0 = arith.constant 0 : i32
    return %arg0, %c0_i32 : i32, i32
  }
}

module attributes {stable_mosaic.version = 14 : i64} {
  func.func @_k1_body(%arg0: i32, %arg1: memref<2x2528x128xf32, #tpu.memory_space<vmem>>, %arg2: memref<2528x128xf32, #tpu.memory_space<vmem>>, %arg3: memref<2528x1xf32, #tpu.memory_space<vmem>>, %arg4: memref<128x4xf32, #tpu.memory_space<vmem>>, %arg5: memref<1x4xf32, #tpu.memory_space<vmem>>, %arg6: memref<128x512xf32, #tpu.memory_space<vmem>>, %arg7: memref<128x512xf32, #tpu.memory_space<vmem>>, %arg8: memref<2528x128xf32, #tpu.memory_space<vmem>>, %arg9: memref<2528x128xf32, #tpu.memory_space<vmem>>) attributes {dimension_semantics = [#tpu.dimension_semantics<arbitrary>], iteration_bounds = array<i64: 4>, scalar_prefetch = 0 : i64, scratch_operands = 0 : i64, tpu.core_type = #tpu.core_type<tc>, window_params = [{transform_indices = @transform_0, window_bounds = array<i64: 2, 2528, 128>}, {transform_indices = @transform_1, window_bounds = array<i64: 2528, 128>}, {transform_indices = @transform_2, window_bounds = array<i64: 2528, 1>}, {pipeline_mode = #tpu.pipeline_mode<synchronous>, transform_indices = @transform_3, window_bounds = array<i64: 128, 4>}, {pipeline_mode = #tpu.pipeline_mode<synchronous>, transform_indices = @transform_4, window_bounds = array<i64: 1, 4>}, {pipeline_mode = #tpu.pipeline_mode<synchronous>, transform_indices = @transform_5, window_bounds = array<i64: 128, 512>}, {pipeline_mode = #tpu.pipeline_mode<synchronous>, transform_indices = @transform_6, window_bounds = array<i64: 128, 512>}, {transform_indices = @transform_7, window_bounds = array<i64: 2528, 128>}, {transform_indices = @transform_8, window_bounds = array<i64: 2528, 128>}]} {
    %get3A = arith.constant 0 : index
    %get3A_0 = arith.constant 0 : index
    %get3A_1 = vector.load %arg3[%get3A, %get3A_0] : memref<2528x1xf32, #tpu.memory_space<vmem>>, vector<2528x1xf32>
    %get3A_2 = arith.constant 0 : index
    %get3A_3 = arith.constant 0 : index
    %get3A_4 = vector.load %arg2[%get3A_2, %get3A_3] : memref<2528x128xf32, #tpu.memory_space<vmem>>, vector<2528x128xf32>
    %get3A_5 = arith.constant 0 : index
    %get3A_6 = arith.constant 0 : index
    %get3A_7 = arith.constant 0 : index
    %get3A_8 = vector.load %arg1[%get3A_5, %get3A_6, %get3A_7] : memref<2x2528x128xf32, #tpu.memory_space<vmem>>, vector<1x2528x128xf32>
    %get3A_9 = vector.shape_cast %get3A_8 : vector<1x2528x128xf32> to vector<2528x128xf32>
    %get3A_10 = arith.constant 1 : index
    %get3A_11 = arith.constant 0 : index
    %get3A_12 = arith.constant 0 : index
    %get3A_13 = vector.load %arg1[%get3A_10, %get3A_11, %get3A_12] : memref<2x2528x128xf32, #tpu.memory_space<vmem>>, vector<1x2528x128xf32>
    %get3A_14 = vector.shape_cast %get3A_13 : vector<1x2528x128xf32> to vector<2528x128xf32>
    %add3A = arith.addf %get3A_9, %get3A_14 : vector<2528x128xf32>
    %mul3A = vector.broadcast %get3A_1 : vector<2528x1xf32> to vector<2528x128xf32>
    %mul3A_15 = arith.mulf %add3A, %mul3A : vector<2528x128xf32>
    %get3A_16 = arith.constant 0 : index
    %get3A_17 = arith.constant 0 : index
    %get3A_18 = vector.load %arg4[%get3A_16, %get3A_17] : memref<128x4xf32, #tpu.memory_space<vmem>>, vector<128x4xf32>
    %dot_general3A = arith.constant dense<0.000000e+00> : vector<2528x4xf32>
    %dot_general3A_19 = tpu.matmul %get3A_4, %get3A_18, %dot_general3A {dimension_numbers = #tpu.dot_dimension_numbers<[1], [0], [0], [1], [0, 0, 1, 1], [], []>, transpose_lhs_hint = false} : vector<2528x128xf32>, vector<128x4xf32>, vector<2528x4xf32> -> vector<2528x4xf32>
    %get3A_20 = arith.constant 0 : index
    %get3A_21 = arith.constant 0 : index
    %get3A_22 = vector.load %arg5[%get3A_20, %get3A_21] : memref<1x4xf32, #tpu.memory_space<vmem>>, vector<1x4xf32>
    %add3A_23 = vector.broadcast %get3A_22 : vector<1x4xf32> to vector<2528x4xf32>
    %add3A_24 = arith.addf %dot_general3A_19, %add3A_23 : vector<2528x4xf32>
    %reduce_max3A = arith.constant dense<0xFF800000> : vector<2528xf32>
    %reduce_max3A_25 = vector.multi_reduction <maximumf>, %add3A_24, %reduce_max3A [1] : vector<2528x4xf32> to vector<2528xf32>
    %broadcast_in_dim3A = vector.shape_cast %reduce_max3A_25 : vector<2528xf32> to vector<2528x1xf32>
    %sub3A = vector.broadcast %broadcast_in_dim3A : vector<2528x1xf32> to vector<2528x4xf32>
    %sub3A_26 = arith.subf %add3A_24, %sub3A : vector<2528x4xf32>
    %exp3A = math.exp %sub3A_26 : vector<2528x4xf32>
    %reduce_sum3A = arith.constant dense<0.000000e+00> : vector<2528xf32>
    %reduce_sum3A_27 = vector.multi_reduction <add>, %exp3A, %reduce_sum3A [1] : vector<2528x4xf32> to vector<2528xf32>
    %broadcast_in_dim3A_28 = vector.shape_cast %reduce_sum3A_27 : vector<2528xf32> to vector<2528x1xf32>
    %div3A = vector.broadcast %broadcast_in_dim3A_28 : vector<2528x1xf32> to vector<2528x4xf32>
    %div3A_29 = arith.divf %exp3A, %div3A : vector<2528x4xf32>
    %get3A_30 = arith.constant 0 : index
    %get3A_31 = arith.constant 0 : index
    %get3A_32 = vector.load %arg6[%get3A_30, %get3A_31] : memref<128x512xf32, #tpu.memory_space<vmem>>, vector<128x512xf32>
    %dot_general3A_33 = arith.constant dense<0.000000e+00> : vector<2528x512xf32>
    %dot_general3A_34 = tpu.matmul %mul3A_15, %get3A_32, %dot_general3A_33 {dimension_numbers = #tpu.dot_dimension_numbers<[1], [0], [0], [1], [0, 0, 1, 1], [], []>, transpose_lhs_hint = false} : vector<2528x128xf32>, vector<128x512xf32>, vector<2528x512xf32> -> vector<2528x512xf32>
    %get3A_35 = arith.constant 0 : index
    %get3A_36 = arith.constant 0 : index
    %get3A_37 = vector.load %arg7[%get3A_35, %get3A_36] : memref<128x512xf32, #tpu.memory_space<vmem>>, vector<128x512xf32>
    %dot_general3A_38 = arith.constant dense<0.000000e+00> : vector<2528x512xf32>
    %dot_general3A_39 = tpu.matmul %get3A_4, %get3A_37, %dot_general3A_38 {dimension_numbers = #tpu.dot_dimension_numbers<[1], [0], [0], [1], [0, 0, 1, 1], [], []>, transpose_lhs_hint = false} : vector<2528x128xf32>, vector<128x512xf32>, vector<2528x512xf32> -> vector<2528x512xf32>
    %add3A_40 = arith.addf %dot_general3A_34, %dot_general3A_39 : vector<2528x512xf32>
    %slice3A = vector.extract_strided_slice %div3A_29 {offsets = [0, 0], sizes = [2528, 1], strides = [1, 1]} : vector<2528x4xf32> to vector<2528x1xf32>
    %slice3A_41 = vector.extract_strided_slice %add3A_40 {offsets = [0, 0], sizes = [2528, 128], strides = [1, 1]} : vector<2528x512xf32> to vector<2528x128xf32>
    %mul3A_42 = vector.broadcast %slice3A : vector<2528x1xf32> to vector<2528x128xf32>
    %mul3A_43 = arith.mulf %mul3A_42, %slice3A_41 : vector<2528x128xf32>
    %add3A_44 = arith.addf %get3A_4, %mul3A_43 : vector<2528x128xf32>
    %slice3A_45 = vector.extract_strided_slice %div3A_29 {offsets = [0, 1], sizes = [2528, 1], strides = [1, 1]} : vector<2528x4xf32> to vector<2528x1xf32>
    %slice3A_46 = vector.extract_strided_slice %add3A_40 {offsets = [0, 128], sizes = [2528, 128], strides = [1, 1]} : vector<2528x512xf32> to vector<2528x128xf32>
    %mul3A_47 = vector.broadcast %slice3A_45 : vector<2528x1xf32> to vector<2528x128xf32>
    %mul3A_48 = arith.mulf %mul3A_47, %slice3A_46 : vector<2528x128xf32>
    %add3A_49 = arith.addf %add3A_44, %mul3A_48 : vector<2528x128xf32>
    %slice3A_50 = vector.extract_strided_slice %div3A_29 {offsets = [0, 2], sizes = [2528, 1], strides = [1, 1]} : vector<2528x4xf32> to vector<2528x1xf32>
    %slice3A_51 = vector.extract_strided_slice %add3A_40 {offsets = [0, 256], sizes = [2528, 128], strides = [1, 1]} : vector<2528x512xf32> to vector<2528x128xf32>
    %mul3A_52 = vector.broadcast %slice3A_50 : vector<2528x1xf32> to vector<2528x128xf32>
    %mul3A_53 = arith.mulf %mul3A_52, %slice3A_51 : vector<2528x128xf32>
    %add3A_54 = arith.addf %add3A_49, %mul3A_53 : vector<2528x128xf32>
    %slice3A_55 = vector.extract_strided_slice %div3A_29 {offsets = [0, 3], sizes = [2528, 1], strides = [1, 1]} : vector<2528x4xf32> to vector<2528x1xf32>
    %slice3A_56 = vector.extract_strided_slice %add3A_40 {offsets = [0, 384], sizes = [2528, 128], strides = [1, 1]} : vector<2528x512xf32> to vector<2528x128xf32>
    %mul3A_57 = vector.broadcast %slice3A_55 : vector<2528x1xf32> to vector<2528x128xf32>
    %mul3A_58 = arith.mulf %mul3A_57, %slice3A_56 : vector<2528x128xf32>
    %add3A_59 = arith.addf %add3A_54, %mul3A_58 : vector<2528x128xf32>
    %max3A = arith.constant 0.000000e+00 : f32
    %max3A_60 = vector.broadcast %max3A : f32 to vector<2528x128xf32>
    %max3A_61 = arith.maximumf %add3A_59, %max3A_60 : vector<2528x128xf32>
    %swap3A = arith.constant 0 : index
    %swap3A_62 = arith.constant 0 : index
    %swap3A_63 = vector.load %arg8[%swap3A, %swap3A_62] : memref<2528x128xf32, #tpu.memory_space<vmem>>, vector<2528x128xf32>
    tpu.vector_store %arg8[%swap3A, %swap3A_62], %max3A_61 {strides = array<i32>} : memref<2528x128xf32, #tpu.memory_space<vmem>>, vector<2528x128xf32>,
    %mul3A_64 = vector.broadcast %get3A_1 : vector<2528x1xf32> to vector<2528x128xf32>
    %mul3A_65 = arith.mulf %max3A_61, %mul3A_64 : vector<2528x128xf32>
    %swap3A_66 = arith.constant 0 : index
    %swap3A_67 = arith.constant 0 : index
    %swap3A_68 = vector.load %arg9[%swap3A_66, %swap3A_67] : memref<2528x128xf32, #tpu.memory_space<vmem>>, vector<2528x128xf32>
    tpu.vector_store %arg9[%swap3A_66, %swap3A_67], %mul3A_65 {strides = array<i32>} : memref<2528x128xf32, #tpu.memory_space<vmem>>, vector<2528x128xf32>,
    return
  }
  func.func @transform_0(%arg0: i32) -> (i32, i32, i32) {
    %c0_i32 = arith.constant 0 : i32
    %c0_i32_0 = arith.constant 0 : i32
    %c0_i32_1 = arith.constant 0 : i32
    return %c0_i32, %arg0, %c0_i32_0 : i32, i32, i32
  }
  func.func @transform_1(%arg0: i32) -> (i32, i32) {
    %c0_i32 = arith.constant 0 : i32
    %c0_i32_0 = arith.constant 0 : i32
    return %arg0, %c0_i32 : i32, i32
  }
  func.func @transform_2(%arg0: i32) -> (i32, i32) {
    %c0_i32 = arith.constant 0 : i32
    %c0_i32_0 = arith.constant 0 : i32
    return %arg0, %c0_i32 : i32, i32
  }
  func.func @transform_3(%arg0: i32) -> (i32, i32) {
    %c0_i32 = arith.constant 0 : i32
    %c0_i32_0 = arith.constant 0 : i32
    %c0_i32_1 = arith.constant 0 : i32
    return %c0_i32, %c0_i32_0 : i32, i32
  }
  func.func @transform_4(%arg0: i32) -> (i32, i32) {
    %c0_i32 = arith.constant 0 : i32
    %c0_i32_0 = arith.constant 0 : i32
    %c0_i32_1 = arith.constant 0 : i32
    return %c0_i32, %c0_i32_0 : i32, i32
  }
  func.func @transform_5(%arg0: i32) -> (i32, i32) {
    %c0_i32 = arith.constant 0 : i32
    %c0_i32_0 = arith.constant 0 : i32
    %c0_i32_1 = arith.constant 0 : i32
    return %c0_i32, %c0_i32_0 : i32, i32
  }
  func.func @transform_6(%arg0: i32) -> (i32, i32) {
    %c0_i32 = arith.constant 0 : i32
    %c0_i32_0 = arith.constant 0 : i32
    %c0_i32_1 = arith.constant 0 : i32
    return %c0_i32, %c0_i32_0 : i32, i32
  }
  func.func @transform_7(%arg0: i32) -> (i32, i32) {
    %c0_i32 = arith.constant 0 : i32
    %c0_i32_0 = arith.constant 0 : i32
    return %arg0, %c0_i32 : i32, i32
  }
  func.func @transform_8(%arg0: i32) -> (i32, i32) {
    %c0_i32 = arith.constant 0 : i32
    %c0_i32_0 = arith.constant 0 : i32
    return %arg0, %c0_i32 : i32, i32
  }
}

</mosaic_0001>

<sc_bundles>
// kernel: kernel.11.cloned.1.call-start
scs
__scs_entry_jumppad:
0x0: {  	(pc) =	sbr.rel $0x88, $3  }
0x1: {  	(tag) =	ssettag $0x0;
	lr =	simm.s32 $0x1  }
0x2: {  	[smem:$0x3F95] =	sst lr;
	_ =	strace $0xD0000000  }
0x3: {  	_ = 	snop  }
0x4: {  	_ = 	snop  }
0x5: {  	_ = 	snop  }
0x6: {  	_ = 	snop  }
0x7: {  	_ = 	snop  }
__scs_overlays_trampoline_lowered:
0x8: {  	[smem:$0x3FA4] =	sst s0  }
0x9: {  	[smem:$0x3FA5] =	sst s1  }
0xa: {  	[smem:$0x3FA6] =	sst s2  }
0xb: {  	[smem:$0x3FA7] =	sst s3  }
0xc: {  	[smem:$0x3FA8] =	sst s4  }
0xd: {  	[smem:$0x3FA9] =	sst s5  }
0xe: {  	[smem:$0x3FAA] =	sst s6  }
0xf: {  	[smem:$0x3FAB] =	sst s7  }
0x10: {  	[smem:$0x3FAC] =	sst s8  }
0x11: {  	[smem:$0x3FAD] =	sst s9;
	s0 =	simm.s32 @!p0 $0x0  }
0x12: {  	s1 =	sld [smem:$0x3F93];
	s0 =	simm.s32 @p0 $0x1  }
0x13: {  	[smem:$0x3FAE] =	sst s0;
	s0 =	simm.s32 @!p1 $0x0  }
0x14: {  	s2 =	sld [smem:$0x3F92];
	s0 =	simm.s32 @p1 $0x1  }
0x15: {  	[smem:$0x3FAF] =	sst s0;
	s0 =	simm.s32 @!p2 $0x0  }
0x16: {  	s3 =	sld [smem:$0x3FDB];
	s0 =	simm.s32 @p2 $0x1  }
0x17: {  	s4 =	simm.s32 $0x1BF5;
	[smem:$0x3FB1] =	sst s0  }
0x18: {  	s0 =	sld [smem:$0x3F94];
	_ =	swait.ge [sflag:s4], $0x0  }
0x19: {  	s7 =	sld [smem:$0x3F95]  }
0x1a: {  	s8 =	sadd.s32 $0xFFFFE003, lr  }
0x1b: {  	s9 =	sadd.s32 $0xFFFFFEF7, lr;
	s5 =	simm.s32 $0xFFFFFFFF;
	p2 =	slt.u32 s8, $0xFFFFF086  }
0x1c: {  	p1 =	slt.u32 s9, $0xF7A;
	s5 =	simm.s32 @!p2 $0x0  }
0x1d: {  	s5 =	simm.s32 @p1 $0x1;
	p0 =	seq.s32 s7, s2  }
0x1e: {  	s7 =	smul.u32 @!p0 $0xF7A, s2;
	p2 =	seq.s32 @!p0 s5, $0x0  }
0x1f: {  	s9 =	smul.u32 $0xF7A, s1;
	s8 =	simm.s32 @!p0 $0x1BF5;
	p2 =	por !p2, p0  }
0x20: {  	[sflag:s8] =	ssyncset.s32 @!p0 $0xFFFFF086;
	s6 =	sadd.s32 @!p0 s3, s7;
	s7 =	simm.s32 @!p0 $0x108  }
0x21: {  	s3 =	sadd.s32 s3, s9;
	s6 =	sadd.s32 @!p0 $0x88, s6;
	s7 =	simm.s32 @p2 $0x1082  }
0x22: {  	[simem:s7], [sflag:s8] =	dma.local @!p0 [hbm:s6], $0xF7A  }
0x23: {  	s9 =	sor.u32 $0xD0000000, s2;
	s6 =	simm.s32 $0x108;
	_ =	swait.ge @!p0 [sflag:s8], $0x0  }
0x24: {  	s3 =	sadd.s32 $0x88, s3;
	s6 =	simm.s32 @!p1 $0x1082;
	[sflag:s4] =	ssyncset.s32 $0xFFFFF086  }
0x25: {  	[simem:s6], [sflag:s4] =	dma.local [hbm:s3], $0xF7A  }
0x26: {  	[smem:$0x3F95] =	sst s1;
	(tag) =	ssettag s2;
	_ =	strace s9  }
0x27: {  	s1 =	sld [smem:$0x3FA5]  }
0x28: {  	s2 =	sld [smem:$0x3FA6]  }
0x29: {  	s4 =	sld [smem:$0x3FA8]  }
0x2a: {  	p0 =	seq.s32 s5, $0x0;
	s5 =	sld [smem:$0x3FA9]  }
0x2b: {  	s6 =	sld [smem:$0x3FAA]  }
0x2c: {  	s7 =	sld [smem:$0x3FAB]  }
0x2d: {  	s3 =	simm.s32 $0x108;
	s8 =	sld [smem:$0x3FAC]  }
0x2e: {  	s3 =	simm.s32 @!p0 $0x1082;
	s9 =	sld [smem:$0x3FAD]  }
0x2f: {  	lr =	sadd.s32 s0, s3;
	s0 =	sld [smem:$0x3FA4]  }
0x30: {  	s3 =	sld [smem:$0x3FA7]  }
0x31: {  	[smem:$0x3FB0] =	sst s10  }
0x32: {  	s10 =	sld [smem:$0x3FAE];
	_ =	sdelay $0x3  }
0x33: {  	p0 =	seq.s32 s10, $0x1;
	s10 =	sld [smem:$0x3FB0];
	_ =	sdelay $0x3  }
0x34: {  	[smem:$0x3FB0] =	sst s10  }
0x35: {  	s10 =	sld [smem:$0x3FAF];
	_ =	sdelay $0x3  }
0x36: {  	p1 =	seq.s32 s10, $0x1;
	s10 =	sld [smem:$0x3FB0];
	_ =	sdelay $0x3  }
0x37: {  	[smem:$0x3FB0] =	sst s10  }
0x38: {  	s10 =	sld [smem:$0x3FB1]  }
0x39: {  	_ = 	snop;
	(pc) =	sbr.ind lr, $3  }
0x3a: {  	_ = 	snop  }
0x3b: {  	_ = 	snop  }
0x3c: {  	p2 =	seq.s32 s10, $0x1;
	s10 =	sld [smem:$0x3FB0]  }
0x3d: {  	_ =	shalt  }
0x3e: {  	_ =	shalt  }
0x3f: {  	_ =	shalt  }
0x40: {  	_ =	shalt  }
0x41: {  	_ =	shalt  }
0x42: {  	_ =	shalt  }
0x43: {  	_ =	shalt  }
0x44: {  	_ =	shalt  }
0x45: {  	_ =	shalt  }
0x46: {  	_ =	shalt  }
0x47: {  	_ =	shalt  }
0x48: {  	_ =	shalt  }
0x49: {  	_ =	shalt  }
0x4a: {  	_ =	shalt  }
0x4b: {  	_ =	shalt  }
0x4c: {  	_ =	shalt  }
0x4d: {  	_ =	shalt  }
0x4e: {  	_ =	shalt  }
0x4f: {  	_ =	shalt  }
0x50: {  	_ =	shalt  }
0x51: {  	_ =	shalt  }
0x52: {  	_ =	shalt  }
0x53: {  	_ =	shalt  }
0x54: {  	_ =	shalt  }
0x55: {  	_ =	shalt  }
0x56: {  	_ =	shalt  }
0x57: {  	_ =	shalt  }
0x58: {  	_ =	shalt  }
0x59: {  	_ =	shalt  }
0x5a: {  	_ =	shalt  }
0x5b: {  	_ =	shalt  }
0x5c: {  	_ =	shalt  }
0x5d: {  	_ =	shalt  }
0x5e: {  	_ =	shalt  }
0x5f: {  	_ =	shalt  }
0x60: {  	_ =	shalt  }
0x61: {  	_ =	shalt  }
0x62: {  	_ =	shalt  }
0x63: {  	_ =	shalt  }
0x64: {  	_ =	shalt  }
0x65: {  	_ =	shalt  }
0x66: {  	_ =	shalt  }
0x67: {  	_ =	shalt  }
0x68: {  	_ =	shalt  }
0x69: {  	_ =	shalt  }
0x6a: {  	_ =	shalt  }
0x6b: {  	_ =	shalt  }
0x6c: {  	_ =	shalt  }
0x6d: {  	_ =	shalt  }
0x6e: {  	_ =	shalt  }
0x6f: {  	_ =	shalt  }
0x70: {  	_ =	shalt  }
0x71: {  	_ =	shalt  }
0x72: {  	_ =	shalt  }
0x73: {  	_ =	shalt  }
0x74: {  	_ =	shalt  }
0x75: {  	_ =	shalt  }
0x76: {  	_ =	shalt  }
0x77: {  	_ =	shalt  }
0x78: {  	_ =	shalt  }
0x79: {  	_ =	shalt  }
0x7a: {  	_ =	shalt  }
0x7b: {  	_ =	shalt  }
0x7c: {  	_ =	shalt  }
0x7d: {  	_ =	shalt  }
0x7e: {  	_ =	shalt  }
0x7f: {  	_ =	shalt  }
0x80: {  	_ =	shalt  }
0x81: {  	_ =	shalt  }
0x82: {  	_ =	shalt  }
0x83: {  	_ =	shalt  }
0x84: {  	_ =	shalt  }
0x85: {  	_ =	shalt  }
0x86: {  	_ =	shalt  }
0x87: {  	_ =	shalt  }
.Lfunc_end0:
.L_simem_size_0:
called_computation.1_lowered:
.L_overlay_start_0:
0x88: {  	s2 =	sld [smem:$0x3FD9]  }
0x89: {  	s3 =	sld [smem:$0x3FFE];
	_ =	sdelay $0x1  }
0x8a: {  	s1 =	srdreg.scid  }
0x8b: {  	s0 =	sand.u32 $0x1, s1  }
0x8c: {  	s17 =	sshll.u32 s0, $0xA;
	s2 =	sadd.s32 s3, s2  }
0x8d: {  	s2 =	sadd.s32 s2, s17  }
0x8e: {  	[smem:$0x3FBC] =	sst s2  }
0x8f: {  	_ = 	snop  }
0x90: {  	s2 =	sld [smem:$0x3FD0];
	(tm) =	ssettm $0x1  }
0x91: {  	s18 =	sld [smem:$0x3FFB];
	_ =	sdelay $0x3  }
0x92: {  	_ =	strace s18  }
0x93: {  	s3 =	sld [smem:$0x3FFC];
	_ =	sdelay $0x3  }
0x94: {  	_ =	strace s3  }
0x95: {  	s3 =	sld [smem:$0x3FFD];
	_ =	sdelay $0x3  }
0x96: {  	_ =	strace s3  }
0x97: {  	_ =	strace $0x8FFFFFFF  }
0x98: {  	s19 =	sld [smem:$0x3FDB];
	_ =	sdelay $0x1  }
0x99: {  	s4 =	simm.s32 $_scs_section_size  }
0x9a: {  	s5 =	simm.s32 $_size__tile_overlayer_lowered;
	s6 =	simm.s32 $_tile_overlayer_lowered  }
0x9b: {  	s22 =	simm.s32 $0x1BFF;
	s21 =	sshll.u32 s6, $0x1;
	s3 =	sadd.s32 s4, s19  }
0x9c: {  	s7 =	simm.s32 $0x0;
	s20 =	sshll.u32 s5, $0x1;
	s5 =	sadd.s32 s21, s3  }
0x9d: {  	[timem:s7], [sflag:s22] =	dma.local [hbm:s5], s20  }
0x9e: {  	_ =	swait.ge [sflag:s22], s20  }
0x9f: {  	s4 =	ssub.s32 $0x0, s20;
	[sflag:s22] =	ssyncset.done $0x0  }
0xa0: {  	[sflag:s22] =	ssyncadd.s32 s4;
	_ =	sdelay $0x1  }
0xa1: {  	s23 =	simm.s32 $0x1B8B  }
0xa2: {  	_ =	swait.ge [sflag:s23], $0x1  }
0xa3: {  	[sflag:s23] =	ssyncset.done $0x0  }
0xa4: {  	s25 =	simm.s32 $0x1B8E;
	s24 =	sld [smem:$0x3FFE];
	[sflag:s23] =	ssyncadd.s32 $0xFFFFFFFF  }
0xa5: {  	s26 =	simm.s32 $execute0_lowered;
	[smem:$0x3FD2] =	sst s25  }
0xa6: {  	s5 =	sshll.u32 s26, $0x1;
	_ =	strace $0x80000049;
	[dreg:$0x1] =	wrdreg $0xFFFFFFFF  }
0xa7: {  	s28 =	simm.s32 $_size_execute0_lowered;
	s3 =	sadd.s32 s3, s5;
	[dreg:$0x0] =	wrdreg $0x0  }
0xa8: {  	s5 =	sshll.u32 s28, $0x1;
	[dreg:$0x2] =	wrdreg s3  }
0xa9: {  	[dreg:$0x3] =	wrdreg s5  }
0xaa: {  	[dreg:$0x4] =	wrdreg $0xC0  }
0xab: {  	_ =	task [dreg:s7], $0x5FFFF  }
0xac: {  	[dreg:$0x1] =	wrdreg $0xFFFFFFFF  }
0xad: {  	[dreg:$0x0] =	wrdreg $0x60  }
0xae: {  	[dreg:$0x2] =	wrdreg s24  }
0xaf: {  	[dreg:$0x3] =	wrdreg s2  }
0xb0: {  	[dreg:$0x4] =	wrdreg $0x90000  }
0xb1: {  	[dreg:$0x5] =	wrdreg $0x9  }
0xb2: {  	_ =	task.clear_ibuf [dreg:s7], $0x6FFFF;
	_ =	strace $0x90000049  }
0xb3: {  	s29 =	simm.s32 $0x9;
	_ =	strace $0x8000004B  }
0xb4: {  	_ =	swait.ge [sflag:s29], $0x1  }
0xb5: {  	[sflag:s29] =	ssyncadd.s32 $0xFFFFFFFF  }
0xb6: {  	_ =	strace $0x9000004B  }
0xb7: {  	_ =	sfence  }
0xb8: {  	s30 =	sld [smem:$0x0];
	_ =	sdelay $0x2  }
0xb9: {  	s31 =	sshll.u32 s1, $0xD;
	s1 =	sshrl.u32 s1, $0x2  }
0xba: {  	s3 =	sand.u32 $0x4000, s31;
	s1 =	sadd.s32 s1, s30  }
0xbb: {  	s0 =	sor.u32 s3, s0;
	s1 =	sshll.u32 s1, $0x11  }
0xbc: {  	s0 =	sor.u32 s1, s0  }
0xbd: {  	s0 =	sadd.s32 $0x8F2B, s0  }
0xbe: {  	[sflag:s0] =	ssyncadd.remote.s32 $0x1  }
0xbf: {  	_ =	sfence.sel $0xFFFF  }
0xc0: {  	[dreg:$0x0] =	wrdreg $0xFFFFFFFF;
	(pc) =	sbr.abs _section_cstart, $3  }
0xc1: {  	[dreg:$0x1] =	wrdreg $0xFFFFFFFF  }
0xc2: {  	_ =	task.clear_ibuf [dreg:s7], $0x2FFFF;
	_ =	strace $0x9FFFFFFF  }
0xc3: {  	(tm) =	ssettm $0x7FFFFFFF  }
tec
execute0_lowered:
.L_overlay_start_1:
0x0: {  	(tag) =	ssettag $0x1  }
0x1: {  	s6 =	rddreg [dreg:$0x0]  }
0x2: {  	s1 =	srdreg.scid;
	s11 =	rddreg [dreg:$0x1]  }
0x3: {  	s0 =	stileid.u32;
	s2 =	rddreg [dreg:$0x2];
	s3 =	simm.s32 $0x0  }
0x4: {  	s15 =	simm.s32 $0x1;
	s16 =	simm.s32 $0x2800;
	s17 =	simm.s32 $0x80  }
0x5: {  	s20 =	simm.s32 $0x0;
	s5 =	sand.u32 $0x1, s1;
	s8 =	smul.u32 $0x13C00, s0  }
0x6: {  	s28 =	sshll.u32 s0, $0x1;
	[smem:$0x7FF] =	sst s3;
	s9 =	smul.u32 $0x4F000, s0  }
0x7: {  	s4 =	sadd.s32 $0x3000, s6;
	s18 =	sshll.u32 s0, $0x6;
	s1 =	sor.u32 s5, s28  }
0x8: {  	s7 =	smul.u32 $0x13C000, s5;
	s29 =	ssub.s32 $0x2, s5;
	s18 =	sor.u32 $0x1C01, s18  }
0x9: {  	s12 =	smul.u32 $0x500, s1;
	s1 =	rddreg [dreg:$0x3];
	_ =	strace $0x8000004A  }
0xa: {  	s30 =	sshrl.u32 s9, $0x2;
	s31 =	sshrl.u32 s29, $0x1;
	s7 =	sadd.s32 s8, s7  }
0xb: {  	s5 =	sadd.s32 s30, s2;
	s14 =	ssub.s32 s29, s31;
	s10 =	sadd.s32 s12, s6  }
0xc: {  	s7 =	sshrl.u32 s7, $0x3;
	s8 =	sadd.s32 $0xC000, s5;
	s9 =	sadd.s32 $0x10000, s5  }
0xd: {  	s11 =	sadd.s32 s11, s12;
	s19 =	sshrl.u32 s5, $0x3;
	s13 =	sadd.s32 s7, s6  }
0xe: {  	s6 =	sadd.s32 $0x4000, s5;
	s7 =	sadd.s32 $0x8000, s5;
	s10 =	sadd.s32 $0x52000, s10  }
0xf: {  	v0 =	vimm.f32 $0.0e+00;
	s12 =	sadd.s32 $0x5C000, s13;
	s13 =	smax.u32 s14, $0x1;
	s14 =	simm.s32 $0x5000  }
.LBB2_1:
0x10: {  	s21 =	sand.u32 $0xFE00, s3  }
0x11: {  	s22 =	sand.u32 $0x70, s3;
	s23 =	sshrl.u32 s21, $0x2  }
0x12: {  	s21 =	simm.s32 $0x40;
	s23 =	sor.u32 s22, s23;
	s22 =	simm.s32 $0x0  }
.LBB2_2:
0x13: {  	p0 =	sne.s32 s21, $0xFFC0  }
0x14: {  	[tilespmem:s23+$0x5000] =	vst v0;
	s22 =	sadd.s32 $0x10, s22;
	s23 =	smov.u32 s21;
	s21 =	sadd.s32 $0x40, s21  }
.Ltmp0:
0x15: {  	(pc) =	sbr.rel @p0 .LBB2_2-.Ltmp0, $4  }
0x16: {  	_ = 	snop  }
0x17: {  	s23 =	sand.u32 $0xFE00, s23  }
0x18: {  	s24 =	sand.u32 $0x70, s22;
	s23 =	sshrl.u32 s23, $0x2  }
0x19: {  	s23 =	sor.u32 s24, s23  }
0x1a: {  	[tilespmem:s23+$0x5000] =	vst v0  }
0x1b: {  	[spmem:s5] =	stream.linear.scatter [tilespmem:s14], [sflag:$0x1], $0x4000, $0x38;
	[tilespmem:$0x1CC00] =	vst v63  }
0x1c: {  	_ =	swait.ge [sflag:s15], $0x4000  }
0x1d: {  	[sflag:s15] =	ssyncset.done $0x0  }
0x1e: {  	[sflag:s15] =	ssyncadd.s32 $0xFFFFC000  }
0x1f: {  	[spmem:s6] =	stream.linear.scatter [tilespmem:s14], [sflag:$0x1], $0x4000, $0x38;
	[tilespmem:$0x1CC00] =	vst v63  }
0x20: {  	_ =	swait.ge [sflag:s15], $0x4000  }
0x21: {  	[sflag:s15] =	ssyncset.done $0x0  }
0x22: {  	[sflag:s15] =	ssyncadd.s32 $0xFFFFC000  }
0x23: {  	[spmem:s7] =	stream.linear.scatter [tilespmem:s14], [sflag:$0x1], $0x4000, $0x38;
	[tilespmem:$0x1CC00] =	vst v63  }
0x24: {  	_ =	swait.ge [sflag:s15], $0x4000  }
0x25: {  	[sflag:s15] =	ssyncset.done $0x0  }
0x26: {  	[sflag:s15] =	ssyncadd.s32 $0xFFFFC000  }
0x27: {  	[spmem:s8] =	stream.linear.scatter [tilespmem:s14], [sflag:$0x1], $0x4000, $0x38;
	[tilespmem:$0x1CC00] =	vst v63  }
0x28: {  	_ =	swait.ge [sflag:s15], $0x4000  }
0x29: {  	[sflag:s15] =	ssyncset.done $0x0  }
0x2a: {  	[sflag:s15] =	ssyncadd.s32 $0xFFFFC000  }
0x2b: {  	[spmem:s9] =	stream.linear.scatter [tilespmem:s14], [sflag:$0x1], $0x3C00, $0x38;
	[tilespmem:$0x1CC00] =	vst v63  }
0x2c: {  	_ =	swait.ge [sflag:s15], $0x3C00  }
0x2d: {  	[sflag:s15] =	ssyncset.done $0x0  }
0x2e: {  	s21 =	simm.s32 $0x0;
	[sflag:s15] =	ssyncadd.s32 $0xFFFFC400  }
0x2f: {  	[tilespmem:s21], [sflag:$0x1] =	stream.linear.gather [hbm4b:s10+s21], $0x2780, $0x38;
	[tilespmem:$0x1CC00] =	vst v63  }
0x30: {  	_ =	swait.ge [sflag:s15], $0x2780  }
0x31: {  	[sflag:s15] =	ssyncset.done $0x0  }
0x32: {  	[sflag:s15] =	ssyncadd.s32 $0xFFFFD880  }
0x33: {  	[tilespmem:s16], [sflag:$0x1] =	stream.linear.gather [hbm4b:s11+s21], $0x2780, $0x38;
	[tilespmem:$0x1CC00] =	vst v63  }
0x34: {  	_ =	swait.ge [sflag:s15], $0x2780  }
0x35: {  	[sflag:s15] =	ssyncset.done $0x0  }
0x36: {  	[sflag:s15] =	ssyncadd.s32 $0xFFFFD880  }
0x37: {  	s30 =	simm.s32 $0x0;
	[bflag:$0x0] =	sbarrier.arrive $0xFFFF  }
0x38: {  	[tilespmem:s14], [sflag:$0x1] =	stream.indirect.gather [hbm4b:s4+s17], $0x80, s30, s17, $0xb8;
	[tilespmem:$0x1CC00] =	vst v63  }
0x39: {  	_ =	swait.ge [sflag:s15], $0x4000  }
0x3a: {  	[sflag:s15] =	ssyncset.done $0x0  }
0x3b: {  	s31 =	simm.s32 $0x2800;
	[sflag:s15] =	ssyncadd.s32 $0xFFFFC000  }
0x3c: {  	[spmem:s2] =	stream.indirect.scatter.add.f32 [tilespmem:s14], [sflag:$0x1], $0x80, s31, s17, $0xb8;
	[tilespmem:$0x1CC00] =	vst v63  }
0x3d: {  	_ =	swait.ge [sflag:s15], $0x4000  }
0x3e: {  	s22 =	simm.s32 $0x400;
	s21 =	simm.s32 $0x200;
	[sflag:s15] =	ssyncset.done $0x0  }
.LBB2_4:
0x3f: {  	s23 =	sshra.s32 s21, $0x2  }
0x40: {  	[sflag:s15] =	ssyncadd.s32 $0xFFFFC000;
	s21 =	smov.u32 s22;
	s24 =	sadd.s32 $0x200, s22  }
0x41: {  	[tilespmem:s14], [sflag:$0x1] =	stream.indirect.gather [hbm4b:s4+s17], $0x80, s23, s17, $0xb8;
	[tilespmem:$0x1CC00] =	vst v63  }
0x42: {  	p0 =	sne.s32 s22, $0x9C00;
	_ =	swait.ge [sflag:s15], $0x4000  }
.Ltmp1:
0x43: {  	[sflag:s15] =	ssyncset.done $0x0;
	(pc) =	sbr.rel @p0 .LBB2_4-.Ltmp1, $4  }
0x44: {  	s22 =	sadd.s32 $0x2800, s23;
	[sflag:s15] =	ssyncadd.s32 $0xFFFFC000  }
0x45: {  	[spmem:s2] =	stream.indirect.scatter.add.f32 [tilespmem:s14], [sflag:$0x1], $0x80, s22, s17, $0xb8;
	[tilespmem:$0x1CC00] =	vst v63  }
0x46: {  	_ =	swait.ge [sflag:s15], $0x4000  }
0x47: {  	s22 =	smov.u32 s24;
	[sflag:s15] =	ssyncset.done $0x0  }
0x48: {  	s21 =	sshra.s32 s21, $0x2;
	[sflag:s15] =	ssyncadd.s32 $0xFFFFC000  }
0x49: {  	[tilespmem:s14], [sflag:$0x1] =	stream.indirect.gather [hbm4b:s4+s17], $0x80, s21, s17, $0xb8;
	[tilespmem:$0x1CC00] =	vst v63  }
0x4a: {  	_ =	swait.ge [sflag:s15], $0x4000  }
0x4b: {  	[sflag:s15] =	ssyncset.done $0x0  }
0x4c: {  	s21 =	sadd.s32 $0x2800, s21;
	[sflag:s15] =	ssyncadd.s32 $0xFFFFC000  }
0x4d: {  	[spmem:s2] =	stream.indirect.scatter.add.f32 [tilespmem:s14], [sflag:$0x1], $0x80, s21, s17, $0xb8;
	[tilespmem:$0x1CC00] =	vst v63  }
0x4e: {  	_ =	swait.ge [sflag:s15], $0x4000  }
0x4f: {  	s20 =	sadd.s32 $0x1, s20;
	[sflag:s15] =	ssyncset.done $0x0  }
0x50: {  	p0 =	sne.s32 s20, s13;
	[sflag:s15] =	ssyncadd.s32 $0xFFFFC000  }
.Ltmp2:
0x51: {  	[bflag:$0x0] =	sbarrier.arrive $0xFFFF;
	(pc) =	sbr.rel @p0 .LBB2_1-.Ltmp2, $4  }
0x52: {  	[hbm:s12], [sflag:s18] =	dma.local [spmem:s19], $0x2780  }
0x53: {  	_ =	swait.ge [sflag:s15], $0x2780  }
0x54: {  	[sflag:s15] =	ssyncset.done $0x0  }
0x55: {  	[sflag:s15] =	ssyncadd.s32 $0xFFFFD880  }
0x56: {  	_ =	sfence.sel $0x180000  }
0x57: {  	[bflag:$0x0] =	sbarrier.arrive $0xFFFF  }
0x58: {  	p0 =	sne.s32 s0, $0x0;
	_ =	strace $0x9000004A  }
0x59: {  	s0 =	sadd.s32 @!p0 $0x100000, s1;
	[bflag:$0x2] =	sbarrier.arrive $0xFFFF  }
0x5a: {  	[sflag:s0] =	ssyncadd.tile.s32 @!p0 $0x1;
	_ =	shalt  }
.Lfunc_end2:
_tile_overlayer_lowered:
.L_overlay_start_2:
0x5b: {  	(tag) =	ssettag $0x2  }
0x5c: {  	s0 =	rddreg [dreg:$0x0];
	s2 =	stileid.u32  }
0x5d: {  	s1 =	rddreg [dreg:$0x1];
	p0 =	sne.s32 s2, $0x0  }
0x5e: {  	s3 =	rddreg [dreg:$0x2];
	[bflag:$0x3] =	sbarrier.arrive $0xFFFF;
	s2 =	simm.s32 @!p0 $0x1C01  }
0x5f: {  	[timem:s3], [sflag:s2] =	dma.local @!p0 [hbm:s0], s1  }
0x60: {  	s0 =	simm.s32 @!p0 $0x1  }
0x61: {  	_ =	swait.ge @!p0 [sflag:s0], s1  }
0x62: {  	s1 =	ssub.s32 @!p0 $0x0, s1;
	[sflag:s0] =	ssyncset.done @!p0 $0x0  }
0x63: {  	[sflag:s0] =	ssyncadd.s32 @!p0 s1  }
0x64: {  	[bflag:$0x3] =	sbarrier.arrive $0xFFFF  }
0x65: {  	_ =	shalt  }

// kernel: kernel.14.cloned.1.call-start
scs
__scs_entry_jumppad:
0x0: {  	(pc) =	sbr.rel $0x88, $3  }
0x1: {  	(tag) =	ssettag $0x0;
	lr =	simm.s32 $0x1  }
0x2: {  	[smem:$0x3F95] =	sst lr;
	_ =	strace $0xD0000000  }
0x3: {  	_ = 	snop  }
0x4: {  	_ = 	snop  }
0x5: {  	_ = 	snop  }
0x6: {  	_ = 	snop  }
0x7: {  	_ = 	snop  }
__scs_overlays_trampoline_lowered:
0x8: {  	[smem:$0x3FA4] =	sst s0  }
0x9: {  	[smem:$0x3FA5] =	sst s1  }
0xa: {  	[smem:$0x3FA6] =	sst s2  }
0xb: {  	[smem:$0x3FA7] =	sst s3  }
0xc: {  	[smem:$0x3FA8] =	sst s4  }
0xd: {  	[smem:$0x3FA9] =	sst s5  }
0xe: {  	[smem:$0x3FAA] =	sst s6  }
0xf: {  	[smem:$0x3FAB] =	sst s7  }
0x10: {  	[smem:$0x3FAC] =	sst s8  }
0x11: {  	[smem:$0x3FAD] =	sst s9;
	s0 =	simm.s32 @!p0 $0x0  }
0x12: {  	s1 =	sld [smem:$0x3F93];
	s0 =	simm.s32 @p0 $0x1  }
0x13: {  	[smem:$0x3FAE] =	sst s0;
	s0 =	simm.s32 @!p1 $0x0  }
0x14: {  	s2 =	sld [smem:$0x3F92];
	s0 =	simm.s32 @p1 $0x1  }
0x15: {  	[smem:$0x3FAF] =	sst s0;
	s0 =	simm.s32 @!p2 $0x0  }
0x16: {  	s3 =	sld [smem:$0x3FDB];
	s0 =	simm.s32 @p2 $0x1  }
0x17: {  	s4 =	simm.s32 $0x1BF5;
	[smem:$0x3FB1] =	sst s0  }
0x18: {  	s0 =	sld [smem:$0x3F94];
	_ =	swait.ge [sflag:s4], $0x0  }
0x19: {  	s7 =	sld [smem:$0x3F95]  }
0x1a: {  	s8 =	sadd.s32 $0xFFFFE003, lr  }
0x1b: {  	s9 =	sadd.s32 $0xFFFFFEF7, lr;
	s5 =	simm.s32 $0xFFFFFFFF;
	p2 =	slt.u32 s8, $0xFFFFF086  }
0x1c: {  	p1 =	slt.u32 s9, $0xF7A;
	s5 =	simm.s32 @!p2 $0x0  }
0x1d: {  	s5 =	simm.s32 @p1 $0x1;
	p0 =	seq.s32 s7, s2  }
0x1e: {  	s7 =	smul.u32 @!p0 $0xF7A, s2;
	p2 =	seq.s32 @!p0 s5, $0x0  }
0x1f: {  	s9 =	smul.u32 $0xF7A, s1;
	s8 =	simm.s32 @!p0 $0x1BF5;
	p2 =	por !p2, p0  }
0x20: {  	[sflag:s8] =	ssyncset.s32 @!p0 $0xFFFFF086;
	s6 =	sadd.s32 @!p0 s3, s7;
	s7 =	simm.s32 @!p0 $0x108  }
0x21: {  	s3 =	sadd.s32 s3, s9;
	s6 =	sadd.s32 @!p0 $0x88, s6;
	s7 =	simm.s32 @p2 $0x1082  }
0x22: {  	[simem:s7], [sflag:s8] =	dma.local @!p0 [hbm:s6], $0xF7A  }
0x23: {  	s9 =	sor.u32 $0xD0000000, s2;
	s6 =	simm.s32 $0x108;
	_ =	swait.ge @!p0 [sflag:s8], $0x0  }
0x24: {  	s3 =	sadd.s32 $0x88, s3;
	s6 =	simm.s32 @!p1 $0x1082;
	[sflag:s4] =	ssyncset.s32 $0xFFFFF086  }
0x25: {  	[simem:s6], [sflag:s4] =	dma.local [hbm:s3], $0xF7A  }
0x26: {  	[smem:$0x3F95] =	sst s1;
	(tag) =	ssettag s2;
	_ =	strace s9  }
0x27: {  	s1 =	sld [smem:$0x3FA5]  }
0x28: {  	s2 =	sld [smem:$0x3FA6]  }
0x29: {  	s4 =	sld [smem:$0x3FA8]  }
0x2a: {  	p0 =	seq.s32 s5, $0x0;
	s5 =	sld [smem:$0x3FA9]  }
0x2b: {  	s6 =	sld [smem:$0x3FAA]  }
0x2c: {  	s7 =	sld [smem:$0x3FAB]  }
0x2d: {  	s3 =	simm.s32 $0x108;
	s8 =	sld [smem:$0x3FAC]  }
0x2e: {  	s3 =	simm.s32 @!p0 $0x1082;
	s9 =	sld [smem:$0x3FAD]  }
0x2f: {  	lr =	sadd.s32 s0, s3;
	s0 =	sld [smem:$0x3FA4]  }
0x30: {  	s3 =	sld [smem:$0x3FA7]  }
0x31: {  	[smem:$0x3FB0] =	sst s10  }
0x32: {  	s10 =	sld [smem:$0x3FAE];
	_ =	sdelay $0x3  }
0x33: {  	p0 =	seq.s32 s10, $0x1;
	s10 =	sld [smem:$0x3FB0];
	_ =	sdelay $0x3  }
0x34: {  	[smem:$0x3FB0] =	sst s10  }
0x35: {  	s10 =	sld [smem:$0x3FAF];
	_ =	sdelay $0x3  }
0x36: {  	p1 =	seq.s32 s10, $0x1;
	s10 =	sld [smem:$0x3FB0];
	_ =	sdelay $0x3  }
0x37: {  	[smem:$0x3FB0] =	sst s10  }
0x38: {  	s10 =	sld [smem:$0x3FB1]  }
0x39: {  	_ = 	snop;
	(pc) =	sbr.ind lr, $3  }
0x3a: {  	_ = 	snop  }
0x3b: {  	_ = 	snop  }
0x3c: {  	p2 =	seq.s32 s10, $0x1;
	s10 =	sld [smem:$0x3FB0]  }
0x3d: {  	_ =	shalt  }
0x3e: {  	_ =	shalt  }
0x3f: {  	_ =	shalt  }
0x40: {  	_ =	shalt  }
0x41: {  	_ =	shalt  }
0x42: {  	_ =	shalt  }
0x43: {  	_ =	shalt  }
0x44: {  	_ =	shalt  }
0x45: {  	_ =	shalt  }
0x46: {  	_ =	shalt  }
0x47: {  	_ =	shalt  }
0x48: {  	_ =	shalt  }
0x49: {  	_ =	shalt  }
0x4a: {  	_ =	shalt  }
0x4b: {  	_ =	shalt  }
0x4c: {  	_ =	shalt  }
0x4d: {  	_ =	shalt  }
0x4e: {  	_ =	shalt  }
0x4f: {  	_ =	shalt  }
0x50: {  	_ =	shalt  }
0x51: {  	_ =	shalt  }
0x52: {  	_ =	shalt  }
0x53: {  	_ =	shalt  }
0x54: {  	_ =	shalt  }
0x55: {  	_ =	shalt  }
0x56: {  	_ =	shalt  }
0x57: {  	_ =	shalt  }
0x58: {  	_ =	shalt  }
0x59: {  	_ =	shalt  }
0x5a: {  	_ =	shalt  }
0x5b: {  	_ =	shalt  }
0x5c: {  	_ =	shalt  }
0x5d: {  	_ =	shalt  }
0x5e: {  	_ =	shalt  }
0x5f: {  	_ =	shalt  }
0x60: {  	_ =	shalt  }
0x61: {  	_ =	shalt  }
0x62: {  	_ =	shalt  }
0x63: {  	_ =	shalt  }
0x64: {  	_ =	shalt  }
0x65: {  	_ =	shalt  }
0x66: {  	_ =	shalt  }
0x67: {  	_ =	shalt  }
0x68: {  	_ =	shalt  }
0x69: {  	_ =	shalt  }
0x6a: {  	_ =	shalt  }
0x6b: {  	_ =	shalt  }
0x6c: {  	_ =	shalt  }
0x6d: {  	_ =	shalt  }
0x6e: {  	_ =	shalt  }
0x6f: {  	_ =	shalt  }
0x70: {  	_ =	shalt  }
0x71: {  	_ =	shalt  }
0x72: {  	_ =	shalt  }
0x73: {  	_ =	shalt  }
0x74: {  	_ =	shalt  }
0x75: {  	_ =	shalt  }
0x76: {  	_ =	shalt  }
0x77: {  	_ =	shalt  }
0x78: {  	_ =	shalt  }
0x79: {  	_ =	shalt  }
0x7a: {  	_ =	shalt  }
0x7b: {  	_ =	shalt  }
0x7c: {  	_ =	shalt  }
0x7d: {  	_ =	shalt  }
0x7e: {  	_ =	shalt  }
0x7f: {  	_ =	shalt  }
0x80: {  	_ =	shalt  }
0x81: {  	_ =	shalt  }
0x82: {  	_ =	shalt  }
0x83: {  	_ =	shalt  }
0x84: {  	_ =	shalt  }
0x85: {  	_ =	shalt  }
0x86: {  	_ =	shalt  }
0x87: {  	_ =	shalt  }
.Lfunc_end0:
.L_simem_size_0:
called_computation.2_lowered:
.L_overlay_start_0:
0x88: {  	s2 =	sld [smem:$0x3FD9]  }
0x89: {  	s3 =	sld [smem:$0x3FFE];
	_ =	sdelay $0x1  }
0x8a: {  	s1 =	srdreg.scid  }
0x8b: {  	s0 =	sand.u32 $0x1, s1  }
0x8c: {  	s17 =	sshll.u32 s0, $0xA;
	s2 =	sadd.s32 s3, s2  }
0x8d: {  	s2 =	sadd.s32 s2, s17  }
0x8e: {  	[smem:$0x3FBC] =	sst s2  }
0x8f: {  	_ = 	snop  }
0x90: {  	s2 =	sld [smem:$0x3FD0];
	(tm) =	ssettm $0x1  }
0x91: {  	s18 =	sld [smem:$0x3FFB];
	_ =	sdelay $0x3  }
0x92: {  	_ =	strace s18  }
0x93: {  	s3 =	sld [smem:$0x3FFC];
	_ =	sdelay $0x3  }
0x94: {  	_ =	strace s3  }
0x95: {  	s3 =	sld [smem:$0x3FFD];
	_ =	sdelay $0x3  }
0x96: {  	_ =	strace s3  }
0x97: {  	_ =	strace $0x8FFFFFFF  }
0x98: {  	s19 =	sld [smem:$0x3FDB];
	_ =	sdelay $0x1  }
0x99: {  	s4 =	simm.s32 $_scs_section_size  }
0x9a: {  	s5 =	simm.s32 $_size__tile_overlayer_lowered;
	s6 =	simm.s32 $_tile_overlayer_lowered  }
0x9b: {  	s22 =	simm.s32 $0x1BFF;
	s21 =	sshll.u32 s6, $0x1;
	s3 =	sadd.s32 s4, s19  }
0x9c: {  	s7 =	simm.s32 $0x0;
	s20 =	sshll.u32 s5, $0x1;
	s5 =	sadd.s32 s21, s3  }
0x9d: {  	[timem:s7], [sflag:s22] =	dma.local [hbm:s5], s20  }
0x9e: {  	_ =	swait.ge [sflag:s22], s20  }
0x9f: {  	s4 =	ssub.s32 $0x0, s20;
	[sflag:s22] =	ssyncset.done $0x0  }
0xa0: {  	[sflag:s22] =	ssyncadd.s32 s4;
	_ =	sdelay $0x1  }
0xa1: {  	s23 =	simm.s32 $0x1B8B  }
0xa2: {  	_ =	swait.ge [sflag:s23], $0x1  }
0xa3: {  	[sflag:s23] =	ssyncset.done $0x0  }
0xa4: {  	s25 =	simm.s32 $0x1B8E;
	s24 =	sld [smem:$0x3FFE];
	[sflag:s23] =	ssyncadd.s32 $0xFFFFFFFF  }
0xa5: {  	s26 =	simm.s32 $execute0_lowered;
	[smem:$0x3FD2] =	sst s25  }
0xa6: {  	s5 =	sshll.u32 s26, $0x1;
	_ =	strace $0x8000004C;
	[dreg:$0x1] =	wrdreg $0xFFFFFFFF  }
0xa7: {  	s28 =	simm.s32 $_size_execute0_lowered;
	s3 =	sadd.s32 s3, s5;
	[dreg:$0x0] =	wrdreg $0x0  }
0xa8: {  	s5 =	sshll.u32 s28, $0x1;
	[dreg:$0x2] =	wrdreg s3  }
0xa9: {  	[dreg:$0x3] =	wrdreg s5  }
0xaa: {  	[dreg:$0x4] =	wrdreg $0xC0  }
0xab: {  	_ =	task [dreg:s7], $0x5FFFF  }
0xac: {  	[dreg:$0x1] =	wrdreg $0xFFFFFFFF  }
0xad: {  	[dreg:$0x0] =	wrdreg $0x60  }
0xae: {  	[dreg:$0x2] =	wrdreg s24  }
0xaf: {  	[dreg:$0x3] =	wrdreg s2  }
0xb0: {  	[dreg:$0x4] =	wrdreg $0x90000  }
0xb1: {  	[dreg:$0x5] =	wrdreg $0x9  }
0xb2: {  	_ =	task.clear_ibuf [dreg:s7], $0x6FFFF;
	_ =	strace $0x9000004C  }
0xb3: {  	s29 =	simm.s32 $0x9;
	_ =	strace $0x8000004E  }
0xb4: {  	_ =	swait.ge [sflag:s29], $0x1  }
0xb5: {  	[sflag:s29] =	ssyncadd.s32 $0xFFFFFFFF  }
0xb6: {  	_ =	strace $0x9000004E  }
0xb7: {  	_ =	sfence  }
0xb8: {  	s30 =	sld [smem:$0x0];
	_ =	sdelay $0x2  }
0xb9: {  	s31 =	sshll.u32 s1, $0xD;
	s1 =	sshrl.u32 s1, $0x2  }
0xba: {  	s3 =	sand.u32 $0x4000, s31;
	s1 =	sadd.s32 s1, s30  }
0xbb: {  	s0 =	sor.u32 s3, s0;
	s1 =	sshll.u32 s1, $0x11  }
0xbc: {  	s0 =	sor.u32 s1, s0  }
0xbd: {  	s0 =	sadd.s32 $0x8F2B, s0  }
0xbe: {  	[sflag:s0] =	ssyncadd.remote.s32 $0x1  }
0xbf: {  	_ =	sfence.sel $0xFFFF  }
0xc0: {  	[dreg:$0x0] =	wrdreg $0xFFFFFFFF;
	(pc) =	sbr.abs _section_cstart, $3  }
0xc1: {  	[dreg:$0x1] =	wrdreg $0xFFFFFFFF  }
0xc2: {  	_ =	task.clear_ibuf [dreg:s7], $0x2FFFF;
	_ =	strace $0x9FFFFFFF  }
0xc3: {  	(tm) =	ssettm $0x7FFFFFFF  }
tec
execute0_lowered:
.L_overlay_start_1:
0x0: {  	(tag) =	ssettag $0x1  }
0x1: {  	s6 =	rddreg [dreg:$0x0]  }
0x2: {  	s1 =	srdreg.scid;
	s11 =	rddreg [dreg:$0x1]  }
0x3: {  	s0 =	stileid.u32;
	s2 =	rddreg [dreg:$0x2];
	s3 =	simm.s32 $0x0  }
0x4: {  	s15 =	simm.s32 $0x1;
	s16 =	simm.s32 $0x2800;
	s17 =	simm.s32 $0x80  }
0x5: {  	s20 =	simm.s32 $0x0;
	s5 =	sand.u32 $0x1, s1;
	s8 =	smul.u32 $0x13C00, s0  }
0x6: {  	s28 =	sshll.u32 s0, $0x1;
	[smem:$0x7FF] =	sst s3;
	s9 =	smul.u32 $0x4F000, s0  }
0x7: {  	s4 =	sadd.s32 $0x3000, s6;
	s18 =	sshll.u32 s0, $0x6;
	s1 =	sor.u32 s5, s28  }
0x8: {  	s7 =	smul.u32 $0x13C000, s5;
	s29 =	ssub.s32 $0x2, s5;
	s18 =	sor.u32 $0x1C01, s18  }
0x9: {  	s12 =	smul.u32 $0x500, s1;
	s1 =	rddreg [dreg:$0x3];
	_ =	strace $0x8000004D  }
0xa: {  	s30 =	sshrl.u32 s9, $0x2;
	s31 =	sshrl.u32 s29, $0x1;
	s7 =	sadd.s32 s8, s7  }
0xb: {  	s5 =	sadd.s32 s30, s2;
	s14 =	ssub.s32 s29, s31;
	s10 =	sadd.s32 s12, s6  }
0xc: {  	s7 =	sshrl.u32 s7, $0x3;
	s8 =	sadd.s32 $0xC000, s5;
	s9 =	sadd.s32 $0x10000, s5  }
0xd: {  	s11 =	sadd.s32 s11, s12;
	s19 =	sshrl.u32 s5, $0x3;
	s13 =	sadd.s32 s7, s6  }
0xe: {  	s6 =	sadd.s32 $0x4000, s5;
	s7 =	sadd.s32 $0x8000, s5;
	s10 =	sadd.s32 $0x52000, s10  }
0xf: {  	v0 =	vimm.f32 $0.0e+00;
	s12 =	sadd.s32 $0x5C000, s13;
	s13 =	smax.u32 s14, $0x1;
	s14 =	simm.s32 $0x5000  }
.LBB2_1:
0x10: {  	s21 =	sand.u32 $0xFE00, s3  }
0x11: {  	s22 =	sand.u32 $0x70, s3;
	s23 =	sshrl.u32 s21, $0x2  }
0x12: {  	s21 =	simm.s32 $0x40;
	s23 =	sor.u32 s22, s23;
	s22 =	simm.s32 $0x0  }
.LBB2_2:
0x13: {  	p0 =	sne.s32 s21, $0xFFC0  }
0x14: {  	[tilespmem:s23+$0x5000] =	vst v0;
	s22 =	sadd.s32 $0x10, s22;
	s23 =	smov.u32 s21;
	s21 =	sadd.s32 $0x40, s21  }
.Ltmp0:
0x15: {  	(pc) =	sbr.rel @p0 .LBB2_2-.Ltmp0, $4  }
0x16: {  	_ = 	snop  }
0x17: {  	s23 =	sand.u32 $0xFE00, s23  }
0x18: {  	s24 =	sand.u32 $0x70, s22;
	s23 =	sshrl.u32 s23, $0x2  }
0x19: {  	s23 =	sor.u32 s24, s23  }
0x1a: {  	[tilespmem:s23+$0x5000] =	vst v0  }
0x1b: {  	[spmem:s5] =	stream.linear.scatter [tilespmem:s14], [sflag:$0x1], $0x4000, $0x38;
	[tilespmem:$0x1CC00] =	vst v63  }
0x1c: {  	_ =	swait.ge [sflag:s15], $0x4000  }
0x1d: {  	[sflag:s15] =	ssyncset.done $0x0  }
0x1e: {  	[sflag:s15] =	ssyncadd.s32 $0xFFFFC000  }
0x1f: {  	[spmem:s6] =	stream.linear.scatter [tilespmem:s14], [sflag:$0x1], $0x4000, $0x38;
	[tilespmem:$0x1CC00] =	vst v63  }
0x20: {  	_ =	swait.ge [sflag:s15], $0x4000  }
0x21: {  	[sflag:s15] =	ssyncset.done $0x0  }
0x22: {  	[sflag:s15] =	ssyncadd.s32 $0xFFFFC000  }
0x23: {  	[spmem:s7] =	stream.linear.scatter [tilespmem:s14], [sflag:$0x1], $0x4000, $0x38;
	[tilespmem:$0x1CC00] =	vst v63  }
0x24: {  	_ =	swait.ge [sflag:s15], $0x4000  }
0x25: {  	[sflag:s15] =	ssyncset.done $0x0  }
0x26: {  	[sflag:s15] =	ssyncadd.s32 $0xFFFFC000  }
0x27: {  	[spmem:s8] =	stream.linear.scatter [tilespmem:s14], [sflag:$0x1], $0x4000, $0x38;
	[tilespmem:$0x1CC00] =	vst v63  }
0x28: {  	_ =	swait.ge [sflag:s15], $0x4000  }
0x29: {  	[sflag:s15] =	ssyncset.done $0x0  }
0x2a: {  	[sflag:s15] =	ssyncadd.s32 $0xFFFFC000  }
0x2b: {  	[spmem:s9] =	stream.linear.scatter [tilespmem:s14], [sflag:$0x1], $0x3C00, $0x38;
	[tilespmem:$0x1CC00] =	vst v63  }
0x2c: {  	_ =	swait.ge [sflag:s15], $0x3C00  }
0x2d: {  	[sflag:s15] =	ssyncset.done $0x0  }
0x2e: {  	s21 =	simm.s32 $0x0;
	[sflag:s15] =	ssyncadd.s32 $0xFFFFC400  }
0x2f: {  	[tilespmem:s21], [sflag:$0x1] =	stream.linear.gather [hbm4b:s10+s21], $0x2780, $0x38;
	[tilespmem:$0x1CC00] =	vst v63  }
0x30: {  	_ =	swait.ge [sflag:s15], $0x2780  }
0x31: {  	[sflag:s15] =	ssyncset.done $0x0  }
0x32: {  	[sflag:s15] =	ssyncadd.s32 $0xFFFFD880  }
0x33: {  	[tilespmem:s16], [sflag:$0x1] =	stream.linear.gather [hbm4b:s11+s21], $0x2780, $0x38;
	[tilespmem:$0x1CC00] =	vst v63  }
0x34: {  	_ =	swait.ge [sflag:s15], $0x2780  }
0x35: {  	[sflag:s15] =	ssyncset.done $0x0  }
0x36: {  	[sflag:s15] =	ssyncadd.s32 $0xFFFFD880  }
0x37: {  	s30 =	simm.s32 $0x0;
	[bflag:$0x0] =	sbarrier.arrive $0xFFFF  }
0x38: {  	[tilespmem:s14], [sflag:$0x1] =	stream.indirect.gather [hbm4b:s4+s17], $0x80, s30, s17, $0xb8;
	[tilespmem:$0x1CC00] =	vst v63  }
0x39: {  	_ =	swait.ge [sflag:s15], $0x4000  }
0x3a: {  	[sflag:s15] =	ssyncset.done $0x0  }
0x3b: {  	s31 =	simm.s32 $0x2800;
	[sflag:s15] =	ssyncadd.s32 $0xFFFFC000  }
0x3c: {  	[spmem:s2] =	stream.indirect.scatter.add.f32 [tilespmem:s14], [sflag:$0x1], $0x80, s31, s17, $0xb8;
	[tilespmem:$0x1CC00] =	vst v63  }
0x3d: {  	_ =	swait.ge [sflag:s15], $0x4000  }
0x3e: {  	s22 =	simm.s32 $0x400;
	s21 =	simm.s32 $0x200;
	[sflag:s15] =	ssyncset.done $0x0  }
.LBB2_4:
0x3f: {  	s23 =	sshra.s32 s21, $0x2  }
0x40: {  	[sflag:s15] =	ssyncadd.s32 $0xFFFFC000;
	s21 =	smov.u32 s22;
	s24 =	sadd.s32 $0x200, s22  }
0x41: {  	[tilespmem:s14], [sflag:$0x1] =	stream.indirect.gather [hbm4b:s4+s17], $0x80, s23, s17, $0xb8;
	[tilespmem:$0x1CC00] =	vst v63  }
0x42: {  	p0 =	sne.s32 s22, $0x9C00;
	_ =	swait.ge [sflag:s15], $0x4000  }
.Ltmp1:
0x43: {  	[sflag:s15] =	ssyncset.done $0x0;
	(pc) =	sbr.rel @p0 .LBB2_4-.Ltmp1, $4  }
0x44: {  	s22 =	sadd.s32 $0x2800, s23;
	[sflag:s15] =	ssyncadd.s32 $0xFFFFC000  }
0x45: {  	[spmem:s2] =	stream.indirect.scatter.add.f32 [tilespmem:s14], [sflag:$0x1], $0x80, s22, s17, $0xb8;
	[tilespmem:$0x1CC00] =	vst v63  }
0x46: {  	_ =	swait.ge [sflag:s15], $0x4000  }
0x47: {  	s22 =	smov.u32 s24;
	[sflag:s15] =	ssyncset.done $0x0  }
0x48: {  	s21 =	sshra.s32 s21, $0x2;
	[sflag:s15] =	ssyncadd.s32 $0xFFFFC000  }
0x49: {  	[tilespmem:s14], [sflag:$0x1] =	stream.indirect.gather [hbm4b:s4+s17], $0x80, s21, s17, $0xb8;
	[tilespmem:$0x1CC00] =	vst v63  }
0x4a: {  	_ =	swait.ge [sflag:s15], $0x4000  }
0x4b: {  	[sflag:s15] =	ssyncset.done $0x0  }
0x4c: {  	s21 =	sadd.s32 $0x2800, s21;
	[sflag:s15] =	ssyncadd.s32 $0xFFFFC000  }
0x4d: {  	[spmem:s2] =	stream.indirect.scatter.add.f32 [tilespmem:s14], [sflag:$0x1], $0x80, s21, s17, $0xb8;
	[tilespmem:$0x1CC00] =	vst v63  }
0x4e: {  	_ =	swait.ge [sflag:s15], $0x4000  }
0x4f: {  	s20 =	sadd.s32 $0x1, s20;
	[sflag:s15] =	ssyncset.done $0x0  }
0x50: {  	p0 =	sne.s32 s20, s13;
	[sflag:s15] =	ssyncadd.s32 $0xFFFFC000  }
.Ltmp2:
0x51: {  	[bflag:$0x0] =	sbarrier.arrive $0xFFFF;
	(pc) =	sbr.rel @p0 .LBB2_1-.Ltmp2, $4  }
0x52: {  	[hbm:s12], [sflag:s18] =	dma.local [spmem:s19], $0x2780  }
0x53: {  	_ =	swait.ge [sflag:s15], $0x2780  }
0x54: {  	[sflag:s15] =	ssyncset.done $0x0  }
0x55: {  	[sflag:s15] =	ssyncadd.s32 $0xFFFFD880  }
0x56: {  	_ =	sfence.sel $0x180000  }
0x57: {  	[bflag:$0x0] =	sbarrier.arrive $0xFFFF  }
0x58: {  	p0 =	sne.s32 s0, $0x0;
	_ =	strace $0x9000004D  }
0x59: {  	s0 =	sadd.s32 @!p0 $0x100000, s1;
	[bflag:$0x2] =	sbarrier.arrive $0xFFFF  }
0x5a: {  	[sflag:s0] =	ssyncadd.tile.s32 @!p0 $0x1;
	_ =	shalt  }
.Lfunc_end2:
_tile_overlayer_lowered:
.L_overlay_start_2:
0x5b: {  	(tag) =	ssettag $0x2  }
0x5c: {  	s0 =	rddreg [dreg:$0x0];
	s2 =	stileid.u32  }
0x5d: {  	s1 =	rddreg [dreg:$0x1];
	p0 =	sne.s32 s2, $0x0  }
0x5e: {  	s3 =	rddreg [dreg:$0x2];
	[bflag:$0x3] =	sbarrier.arrive $0xFFFF;
	s2 =	simm.s32 @!p0 $0x1C01  }
0x5f: {  	[timem:s3], [sflag:s2] =	dma.local @!p0 [hbm:s0], s1  }
0x60: {  	s0 =	simm.s32 @!p0 $0x1  }
0x61: {  	_ =	swait.ge @!p0 [sflag:s0], s1  }
0x62: {  	s1 =	ssub.s32 @!p0 $0x0, s1;
	[sflag:s0] =	ssyncset.done @!p0 $0x0  }
0x63: {  	[sflag:s0] =	ssyncadd.s32 @!p0 s1  }
0x64: {  	[bflag:$0x3] =	sbarrier.arrive $0xFFFF  }
0x65: {  	_ =	shalt  }

// kernel: kernel.8.cloned.1.call-start
scs
__scs_entry_jumppad:
0x0: {  	(pc) =	sbr.rel $0x88, $3  }
0x1: {  	(tag) =	ssettag $0x0;
	lr =	simm.s32 $0x1  }
0x2: {  	[smem:$0x3F95] =	sst lr;
	_ =	strace $0xD0000000  }
0x3: {  	_ = 	snop  }
0x4: {  	_ = 	snop  }
0x5: {  	_ = 	snop  }
0x6: {  	_ = 	snop  }
0x7: {  	_ = 	snop  }
__scs_overlays_trampoline_lowered:
0x8: {  	[smem:$0x3FA4] =	sst s0  }
0x9: {  	[smem:$0x3FA5] =	sst s1  }
0xa: {  	[smem:$0x3FA6] =	sst s2  }
0xb: {  	[smem:$0x3FA7] =	sst s3  }
0xc: {  	[smem:$0x3FA8] =	sst s4  }
0xd: {  	[smem:$0x3FA9] =	sst s5  }
0xe: {  	[smem:$0x3FAA] =	sst s6  }
0xf: {  	[smem:$0x3FAB] =	sst s7  }
0x10: {  	[smem:$0x3FAC] =	sst s8  }
0x11: {  	[smem:$0x3FAD] =	sst s9;
	s0 =	simm.s32 @!p0 $0x0  }
0x12: {  	s1 =	sld [smem:$0x3F93];
	s0 =	simm.s32 @p0 $0x1  }
0x13: {  	[smem:$0x3FAE] =	sst s0;
	s0 =	simm.s32 @!p1 $0x0  }
0x14: {  	s2 =	sld [smem:$0x3F92];
	s0 =	simm.s32 @p1 $0x1  }
0x15: {  	[smem:$0x3FAF] =	sst s0;
	s0 =	simm.s32 @!p2 $0x0  }
0x16: {  	s3 =	sld [smem:$0x3FDB];
	s0 =	simm.s32 @p2 $0x1  }
0x17: {  	s4 =	simm.s32 $0x1BF5;
	[smem:$0x3FB1] =	sst s0  }
0x18: {  	s0 =	sld [smem:$0x3F94];
	_ =	swait.ge [sflag:s4], $0x0  }
0x19: {  	s7 =	sld [smem:$0x3F95]  }
0x1a: {  	s8 =	sadd.s32 $0xFFFFE003, lr  }
0x1b: {  	s9 =	sadd.s32 $0xFFFFFEF7, lr;
	s5 =	simm.s32 $0xFFFFFFFF;
	p2 =	slt.u32 s8, $0xFFFFF086  }
0x1c: {  	p1 =	slt.u32 s9, $0xF7A;
	s5 =	simm.s32 @!p2 $0x0  }
0x1d: {  	s5 =	simm.s32 @p1 $0x1;
	p0 =	seq.s32 s7, s2  }
0x1e: {  	s7 =	smul.u32 @!p0 $0xF7A, s2;
	p2 =	seq.s32 @!p0 s5, $0x0  }
0x1f: {  	s9 =	smul.u32 $0xF7A, s1;
	s8 =	simm.s32 @!p0 $0x1BF5;
	p2 =	por !p2, p0  }
0x20: {  	[sflag:s8] =	ssyncset.s32 @!p0 $0xFFFFF086;
	s6 =	sadd.s32 @!p0 s3, s7;
	s7 =	simm.s32 @!p0 $0x108  }
0x21: {  	s3 =	sadd.s32 s3, s9;
	s6 =	sadd.s32 @!p0 $0x88, s6;
	s7 =	simm.s32 @p2 $0x1082  }
0x22: {  	[simem:s7], [sflag:s8] =	dma.local @!p0 [hbm:s6], $0xF7A  }
0x23: {  	s9 =	sor.u32 $0xD0000000, s2;
	s6 =	simm.s32 $0x108;
	_ =	swait.ge @!p0 [sflag:s8], $0x0  }
0x24: {  	s3 =	sadd.s32 $0x88, s3;
	s6 =	simm.s32 @!p1 $0x1082;
	[sflag:s4] =	ssyncset.s32 $0xFFFFF086  }
0x25: {  	[simem:s6], [sflag:s4] =	dma.local [hbm:s3], $0xF7A  }
0x26: {  	[smem:$0x3F95] =	sst s1;
	(tag) =	ssettag s2;
	_ =	strace s9  }
0x27: {  	s1 =	sld [smem:$0x3FA5]  }
0x28: {  	s2 =	sld [smem:$0x3FA6]  }
0x29: {  	s4 =	sld [smem:$0x3FA8]  }
0x2a: {  	p0 =	seq.s32 s5, $0x0;
	s5 =	sld [smem:$0x3FA9]  }
0x2b: {  	s6 =	sld [smem:$0x3FAA]  }
0x2c: {  	s7 =	sld [smem:$0x3FAB]  }
0x2d: {  	s3 =	simm.s32 $0x108;
	s8 =	sld [smem:$0x3FAC]  }
0x2e: {  	s3 =	simm.s32 @!p0 $0x1082;
	s9 =	sld [smem:$0x3FAD]  }
0x2f: {  	lr =	sadd.s32 s0, s3;
	s0 =	sld [smem:$0x3FA4]  }
0x30: {  	s3 =	sld [smem:$0x3FA7]  }
0x31: {  	[smem:$0x3FB0] =	sst s10  }
0x32: {  	s10 =	sld [smem:$0x3FAE];
	_ =	sdelay $0x3  }
0x33: {  	p0 =	seq.s32 s10, $0x1;
	s10 =	sld [smem:$0x3FB0];
	_ =	sdelay $0x3  }
0x34: {  	[smem:$0x3FB0] =	sst s10  }
0x35: {  	s10 =	sld [smem:$0x3FAF];
	_ =	sdelay $0x3  }
0x36: {  	p1 =	seq.s32 s10, $0x1;
	s10 =	sld [smem:$0x3FB0];
	_ =	sdelay $0x3  }
0x37: {  	[smem:$0x3FB0] =	sst s10  }
0x38: {  	s10 =	sld [smem:$0x3FB1]  }
0x39: {  	_ = 	snop;
	(pc) =	sbr.ind lr, $3  }
0x3a: {  	_ = 	snop  }
0x3b: {  	_ = 	snop  }
0x3c: {  	p2 =	seq.s32 s10, $0x1;
	s10 =	sld [smem:$0x3FB0]  }
0x3d: {  	_ =	shalt  }
0x3e: {  	_ =	shalt  }
0x3f: {  	_ =	shalt  }
0x40: {  	_ =	shalt  }
0x41: {  	_ =	shalt  }
0x42: {  	_ =	shalt  }
0x43: {  	_ =	shalt  }
0x44: {  	_ =	shalt  }
0x45: {  	_ =	shalt  }
0x46: {  	_ =	shalt  }
0x47: {  	_ =	shalt  }
0x48: {  	_ =	shalt  }
0x49: {  	_ =	shalt  }
0x4a: {  	_ =	shalt  }
0x4b: {  	_ =	shalt  }
0x4c: {  	_ =	shalt  }
0x4d: {  	_ =	shalt  }
0x4e: {  	_ =	shalt  }
0x4f: {  	_ =	shalt  }
0x50: {  	_ =	shalt  }
0x51: {  	_ =	shalt  }
0x52: {  	_ =	shalt  }
0x53: {  	_ =	shalt  }
0x54: {  	_ =	shalt  }
0x55: {  	_ =	shalt  }
0x56: {  	_ =	shalt  }
0x57: {  	_ =	shalt  }
0x58: {  	_ =	shalt  }
0x59: {  	_ =	shalt  }
0x5a: {  	_ =	shalt  }
0x5b: {  	_ =	shalt  }
0x5c: {  	_ =	shalt  }
0x5d: {  	_ =	shalt  }
0x5e: {  	_ =	shalt  }
0x5f: {  	_ =	shalt  }
0x60: {  	_ =	shalt  }
0x61: {  	_ =	shalt  }
0x62: {  	_ =	shalt  }
0x63: {  	_ =	shalt  }
0x64: {  	_ =	shalt  }
0x65: {  	_ =	shalt  }
0x66: {  	_ =	shalt  }
0x67: {  	_ =	shalt  }
0x68: {  	_ =	shalt  }
0x69: {  	_ =	shalt  }
0x6a: {  	_ =	shalt  }
0x6b: {  	_ =	shalt  }
0x6c: {  	_ =	shalt  }
0x6d: {  	_ =	shalt  }
0x6e: {  	_ =	shalt  }
0x6f: {  	_ =	shalt  }
0x70: {  	_ =	shalt  }
0x71: {  	_ =	shalt  }
0x72: {  	_ =	shalt  }
0x73: {  	_ =	shalt  }
0x74: {  	_ =	shalt  }
0x75: {  	_ =	shalt  }
0x76: {  	_ =	shalt  }
0x77: {  	_ =	shalt  }
0x78: {  	_ =	shalt  }
0x79: {  	_ =	shalt  }
0x7a: {  	_ =	shalt  }
0x7b: {  	_ =	shalt  }
0x7c: {  	_ =	shalt  }
0x7d: {  	_ =	shalt  }
0x7e: {  	_ =	shalt  }
0x7f: {  	_ =	shalt  }
0x80: {  	_ =	shalt  }
0x81: {  	_ =	shalt  }
0x82: {  	_ =	shalt  }
0x83: {  	_ =	shalt  }
0x84: {  	_ =	shalt  }
0x85: {  	_ =	shalt  }
0x86: {  	_ =	shalt  }
0x87: {  	_ =	shalt  }
.Lfunc_end0:
.L_simem_size_0:
called_computation_lowered:
.L_overlay_start_0:
0x88: {  	s2 =	sld [smem:$0x3FD9]  }
0x89: {  	s3 =	sld [smem:$0x3FFE];
	_ =	sdelay $0x1  }
0x8a: {  	s1 =	srdreg.scid  }
0x8b: {  	s0 =	sand.u32 $0x1, s1  }
0x8c: {  	s17 =	sshll.u32 s0, $0xA;
	s2 =	sadd.s32 s3, s2  }
0x8d: {  	s2 =	sadd.s32 s2, s17  }
0x8e: {  	[smem:$0x3FBC] =	sst s2  }
0x8f: {  	_ = 	snop  }
0x90: {  	s2 =	sld [smem:$0x3FD0];
	(tm) =	ssettm $0x1  }
0x91: {  	s18 =	sld [smem:$0x3FFB];
	_ =	sdelay $0x3  }
0x92: {  	_ =	strace s18  }
0x93: {  	s3 =	sld [smem:$0x3FFC];
	_ =	sdelay $0x3  }
0x94: {  	_ =	strace s3  }
0x95: {  	s3 =	sld [smem:$0x3FFD];
	_ =	sdelay $0x3  }
0x96: {  	_ =	strace s3  }
0x97: {  	_ =	strace $0x8FFFFFFF  }
0x98: {  	s19 =	sld [smem:$0x3FDB];
	_ =	sdelay $0x1  }
0x99: {  	s4 =	simm.s32 $_scs_section_size  }
0x9a: {  	s5 =	simm.s32 $_size__tile_overlayer_lowered;
	s6 =	simm.s32 $_tile_overlayer_lowered  }
0x9b: {  	s22 =	simm.s32 $0x1BFF;
	s21 =	sshll.u32 s6, $0x1;
	s3 =	sadd.s32 s4, s19  }
0x9c: {  	s7 =	simm.s32 $0x0;
	s20 =	sshll.u32 s5, $0x1;
	s5 =	sadd.s32 s21, s3  }
0x9d: {  	[timem:s7], [sflag:s22] =	dma.local [hbm:s5], s20  }
0x9e: {  	_ =	swait.ge [sflag:s22], s20  }
0x9f: {  	s4 =	ssub.s32 $0x0, s20;
	[sflag:s22] =	ssyncset.done $0x0  }
0xa0: {  	[sflag:s22] =	ssyncadd.s32 s4;
	_ =	sdelay $0x1  }
0xa1: {  	s23 =	simm.s32 $0x1B8B  }
0xa2: {  	_ =	swait.ge [sflag:s23], $0x1  }
0xa3: {  	[sflag:s23] =	ssyncset.done $0x0  }
0xa4: {  	s25 =	simm.s32 $0x1B8E;
	s24 =	sld [smem:$0x3FFE];
	[sflag:s23] =	ssyncadd.s32 $0xFFFFFFFF  }
0xa5: {  	s26 =	simm.s32 $execute0_lowered;
	[smem:$0x3FD2] =	sst s25  }
0xa6: {  	s5 =	sshll.u32 s26, $0x1;
	_ =	strace $0x80000046;
	[dreg:$0x1] =	wrdreg $0xFFFFFFFF  }
0xa7: {  	s28 =	simm.s32 $_size_execute0_lowered;
	s3 =	sadd.s32 s3, s5;
	[dreg:$0x0] =	wrdreg $0x0  }
0xa8: {  	s5 =	sshll.u32 s28, $0x1;
	[dreg:$0x2] =	wrdreg s3  }
0xa9: {  	[dreg:$0x3] =	wrdreg s5  }
0xaa: {  	[dreg:$0x4] =	wrdreg $0xC0  }
0xab: {  	_ =	task [dreg:s7], $0x5FFFF  }
0xac: {  	[dreg:$0x1] =	wrdreg $0xFFFFFFFF  }
0xad: {  	[dreg:$0x0] =	wrdreg $0x60  }
0xae: {  	[dreg:$0x2] =	wrdreg s2  }
0xaf: {  	[dreg:$0x3] =	wrdreg s24  }
0xb0: {  	[dreg:$0x4] =	wrdreg $0x68000  }
0xb1: {  	[dreg:$0x5] =	wrdreg $0x9  }
0xb2: {  	_ =	task.clear_ibuf [dreg:s7], $0x6FFFF;
	_ =	strace $0x90000046  }
0xb3: {  	s29 =	simm.s32 $0x9;
	_ =	strace $0x80000048  }
0xb4: {  	_ =	swait.ge [sflag:s29], $0x1  }
0xb5: {  	[sflag:s29] =	ssyncadd.s32 $0xFFFFFFFF  }
0xb6: {  	_ =	strace $0x90000048  }
0xb7: {  	_ =	sfence  }
0xb8: {  	s30 =	sld [smem:$0x0];
	_ =	sdelay $0x2  }
0xb9: {  	s31 =	sshll.u32 s1, $0xD;
	s1 =	sshrl.u32 s1, $0x2  }
0xba: {  	s3 =	sand.u32 $0x4000, s31;
	s1 =	sadd.s32 s1, s30  }
0xbb: {  	s0 =	sor.u32 s3, s0;
	s1 =	sshll.u32 s1, $0x11  }
0xbc: {  	s0 =	sor.u32 s1, s0  }
0xbd: {  	s0 =	sadd.s32 $0x8F2B, s0  }
0xbe: {  	[sflag:s0] =	ssyncadd.remote.s32 $0x1  }
0xbf: {  	_ =	sfence.sel $0xFFFF  }
0xc0: {  	[dreg:$0x0] =	wrdreg $0xFFFFFFFF;
	(pc) =	sbr.abs _section_cstart, $3  }
0xc1: {  	[dreg:$0x1] =	wrdreg $0xFFFFFFFF  }
0xc2: {  	_ =	task.clear_ibuf [dreg:s7], $0x2FFFF;
	_ =	strace $0x9FFFFFFF  }
0xc3: {  	(tm) =	ssettm $0x7FFFFFFF  }
tec
execute0_lowered:
.L_overlay_start_1:
0x0: {  	(tag) =	ssettag $0x1  }
0x1: {  	s9 =	rddreg [dreg:$0x0]  }
0x2: {  	s6 =	rddreg [dreg:$0x1]  }
0x3: {  	s2 =	rddreg [dreg:$0x2]  }
0x4: {  	s0 =	srdreg.scid;
	s1 =	rddreg [dreg:$0x3]  }
0x5: {  	s3 =	simm.s32 $0x0;
	s13 =	simm.s32 $0x1;
	s4 =	sand.u32 $0x1, s0  }
0x6: {  	s14 =	simm.s32 $0x80;
	s0 =	stileid.u32;
	s5 =	smul.u32 $0x13C000, s4  }
0x7: {  	s17 =	simm.s32 $0x0;
	[smem:$0x7FF] =	sst s3;
	s7 =	smul.u32 $0x13C00, s0  }
0x8: {  	s26 =	smul.u32 $0x4F000, s0;
	_ =	strace $0x80000047;
	s28 =	sshll.u32 s0, $0x1  }
0x9: {  	s29 =	ssub.s32 $0x2, s4;
	s15 =	sshll.u32 s0, $0x6;
	s5 =	sadd.s32 s7, s5  }
0xa: {  	s31 =	sshrl.u32 s29, $0x1;
	s15 =	sor.u32 $0x1C01, s15;
	s5 =	sshrl.u32 s5, $0x3  }
0xb: {  	s30 =	sshrl.u32 s26, $0x2;
	s10 =	sadd.s32 s5, s6;
	s5 =	sor.u32 s4, s28  }
0xc: {  	s12 =	ssub.s32 s29, s31;
	s4 =	sadd.s32 s30, s2;
	s11 =	smul.u32 $0x500, s5  }
0xd: {  	s5 =	sadd.s32 $0x4000, s4;
	s6 =	sadd.s32 $0x8000, s4;
	s7 =	sadd.s32 $0xC000, s4  }
0xe: {  	s8 =	sadd.s32 $0x10000, s4;
	s10 =	sadd.s32 $0x3000, s10;
	s16 =	sshrl.u32 s4, $0x3  }
0xf: {  	v0 =	vimm.f32 $0.0e+00;
	v1 =	vimm.f32 $1.000000000e+00;
	s9 =	sadd.s32 s9, s11;
	s11 =	smax.u32 s12, $0x1;
	s12 =	simm.s32 $0x2800  }
.LBB2_1:
0x10: {  	s18 =	sand.u32 $0xFE00, s3  }
0x11: {  	s19 =	sand.u32 $0x70, s3;
	s20 =	sshrl.u32 s18, $0x2  }
0x12: {  	s18 =	simm.s32 $0x40;
	s20 =	sor.u32 s19, s20;
	s19 =	simm.s32 $0x0  }
.LBB2_2:
0x13: {  	p0 =	sne.s32 s18, $0xFFC0  }
0x14: {  	[tilespmem:s20+$0x2800] =	vst v0;
	s19 =	sadd.s32 $0x10, s19;
	s20 =	smov.u32 s18;
	s18 =	sadd.s32 $0x40, s18  }
.Ltmp0:
0x15: {  	(pc) =	sbr.rel @p0 .LBB2_2-.Ltmp0, $4  }
0x16: {  	_ = 	snop  }
0x17: {  	s20 =	sand.u32 $0xFE00, s20  }
0x18: {  	s21 =	sand.u32 $0x70, s19;
	s20 =	sshrl.u32 s20, $0x2  }
0x19: {  	s20 =	sor.u32 s21, s20  }
0x1a: {  	[tilespmem:s20+$0x2800] =	vst v0  }
0x1b: {  	[spmem:s4] =	stream.linear.scatter [tilespmem:s12], [sflag:$0x1], $0x4000, $0x38;
	[tilespmem:$0x1A400] =	vst v63  }
0x1c: {  	_ =	swait.ge [sflag:s13], $0x4000  }
0x1d: {  	[sflag:s13] =	ssyncset.done $0x0  }
0x1e: {  	[sflag:s13] =	ssyncadd.s32 $0xFFFFC000  }
0x1f: {  	[spmem:s5] =	stream.linear.scatter [tilespmem:s12], [sflag:$0x1], $0x4000, $0x38;
	[tilespmem:$0x1A400] =	vst v63  }
0x20: {  	_ =	swait.ge [sflag:s13], $0x4000  }
0x21: {  	[sflag:s13] =	ssyncset.done $0x0  }
0x22: {  	[sflag:s13] =	ssyncadd.s32 $0xFFFFC000  }
0x23: {  	[spmem:s6] =	stream.linear.scatter [tilespmem:s12], [sflag:$0x1], $0x4000, $0x38;
	[tilespmem:$0x1A400] =	vst v63  }
0x24: {  	_ =	swait.ge [sflag:s13], $0x4000  }
0x25: {  	[sflag:s13] =	ssyncset.done $0x0  }
0x26: {  	[sflag:s13] =	ssyncadd.s32 $0xFFFFC000  }
0x27: {  	[spmem:s7] =	stream.linear.scatter [tilespmem:s12], [sflag:$0x1], $0x4000, $0x38;
	[tilespmem:$0x1A400] =	vst v63  }
0x28: {  	_ =	swait.ge [sflag:s13], $0x4000  }
0x29: {  	[sflag:s13] =	ssyncset.done $0x0  }
0x2a: {  	s18 =	simm.s32 $0x0;
	[sflag:s13] =	ssyncadd.s32 $0xFFFFC000  }
0x2b: {  	[spmem:s8] =	stream.linear.scatter [tilespmem:s12], [sflag:$0x1], $0x3C00, $0x38;
	[tilespmem:$0x1A400] =	vst v63  }
0x2c: {  	s19 =	sand.u32 $0xFE00, s18;
	_ =	swait.ge [sflag:s13], $0x3C00  }
0x2d: {  	s31 =	sand.u32 $0x70, s18;
	s21 =	sshrl.u32 s19, $0x2;
	[sflag:s13] =	ssyncset.done $0x0  }
0x2e: {  	s19 =	simm.s32 $0x40;
	s20 =	sor.u32 s31, s21;
	[sflag:s13] =	ssyncadd.s32 $0xFFFFC400  }
.LBB2_4:
0x2f: {  	p0 =	sne.s32 s19, $0xFFC0  }
0x30: {  	[tilespmem:s20+$0x2800] =	vst v1;
	s18 =	sadd.s32 $0x10, s18;
	s20 =	smov.u32 s19;
	s19 =	sadd.s32 $0x40, s19  }
.Ltmp1:
0x31: {  	(pc) =	sbr.rel @p0 .LBB2_4-.Ltmp1, $4  }
0x32: {  	_ = 	snop  }
0x33: {  	s20 =	sand.u32 $0xFE00, s20  }
0x34: {  	s21 =	sand.u32 $0x70, s18;
	s20 =	sshrl.u32 s20, $0x2  }
0x35: {  	s20 =	sor.u32 s21, s20  }
0x36: {  	[tilespmem:s20+$0x2800] =	vst v1;
	s18 =	simm.s32 $0x0  }
0x37: {  	[tilespmem:s18], [sflag:$0x1] =	stream.linear.gather [hbm4b:s9+s18], $0x2780, $0x38;
	[tilespmem:$0x1A400] =	vst v63  }
0x38: {  	_ =	swait.ge [sflag:s13], $0x2780  }
0x39: {  	[sflag:s13] =	ssyncset.done $0x0  }
0x3a: {  	[sflag:s13] =	ssyncadd.s32 $0xFFFFD880  }
0x3b: {  	s31 =	simm.s32 $0x0;
	[bflag:$0x0] =	sbarrier.arrive $0xFFFF  }
0x3c: {  	[spmem:s2] =	stream.indirect.scatter.add.f32 [tilespmem:s12], [sflag:$0x1], $0x80, s31, s14, $0xb8;
	[tilespmem:$0x1A400] =	vst v63  }
0x3d: {  	_ =	swait.ge [sflag:s13], $0x4000  }
0x3e: {  	s18 =	simm.s32 $0x200;
	[sflag:s13] =	ssyncset.done $0x0  }
.LBB2_6:
0x3f: {  	s19 =	sshra.s32 s18, $0x2;
	[sflag:s13] =	ssyncadd.s32 $0xFFFFC000;
	p0 =	sne.s32 s18, $0x9C00  }
0x40: {  	[spmem:s2] =	stream.indirect.scatter.add.f32 [tilespmem:s12], [sflag:$0x1], $0x80, s19, s14, $0xb8;
	[tilespmem:$0x1A400] =	vst v63  }
.Ltmp2:
0x41: {  	_ = 	snop;
	(pc) =	sbr.rel @p0 .LBB2_6-.Ltmp2, $4  }
0x42: {  	_ = 	snop  }
0x43: {  	s18 =	sadd.s32 $0x200, s18  }
0x44: {  	_ =	swait.ge [sflag:s13], $0x4000  }
0x45: {  	[sflag:s13] =	ssyncset.done $0x0  }
0x46: {  	s17 =	sadd.s32 $0x1, s17  }
0x47: {  	[sflag:s13] =	ssyncadd.s32 $0xFFFFC000;
	p0 =	sne.s32 s17, s11  }
.Ltmp3:
0x48: {  	[bflag:$0x0] =	sbarrier.arrive $0xFFFF;
	(pc) =	sbr.rel @p0 .LBB2_1-.Ltmp3, $4  }
0x49: {  	[hbm:s10], [sflag:s15] =	dma.local [spmem:s16], $0x2780  }
0x4a: {  	_ =	swait.ge [sflag:s13], $0x2780  }
0x4b: {  	[sflag:s13] =	ssyncset.done $0x0  }
0x4c: {  	[sflag:s13] =	ssyncadd.s32 $0xFFFFD880  }
0x4d: {  	_ =	sfence.sel $0x180000  }
0x4e: {  	[bflag:$0x0] =	sbarrier.arrive $0xFFFF  }
0x4f: {  	p0 =	sne.s32 s0, $0x0;
	_ =	strace $0x90000047  }
0x50: {  	s0 =	sadd.s32 @!p0 $0x100000, s1;
	[bflag:$0x2] =	sbarrier.arrive $0xFFFF  }
0x51: {  	[sflag:s0] =	ssyncadd.tile.s32 @!p0 $0x1;
	_ =	shalt  }
.Lfunc_end2:
_tile_overlayer_lowered:
.L_overlay_start_2:
0x52: {  	(tag) =	ssettag $0x2  }
0x53: {  	s0 =	rddreg [dreg:$0x0];
	s2 =	stileid.u32  }
0x54: {  	s1 =	rddreg [dreg:$0x1];
	p0 =	sne.s32 s2, $0x0  }
0x55: {  	s3 =	rddreg [dreg:$0x2];
	[bflag:$0x3] =	sbarrier.arrive $0xFFFF;
	s2 =	simm.s32 @!p0 $0x1C01  }
0x56: {  	[timem:s3], [sflag:s2] =	dma.local @!p0 [hbm:s0], s1  }
0x57: {  	s0 =	simm.s32 @!p0 $0x1  }
0x58: {  	_ =	swait.ge @!p0 [sflag:s0], s1  }
0x59: {  	s1 =	ssub.s32 @!p0 $0x0, s1;
	[sflag:s0] =	ssyncset.done @!p0 $0x0  }
0x5a: {  	[sflag:s0] =	ssyncadd.s32 @!p0 s1  }
0x5b: {  	[bflag:$0x3] =	sbarrier.arrive $0xFFFF  }
0x5c: {  	_ =	shalt  }

</sc_bundles>
